<compile_context>
chip_gen: v7x
topology: tpu7x:2x2x1
jax: 0.10.2.dev20260603
libtpu: 0.0.44.dev20260713+nightly
codegen_flags: <defaults>
</compile_context>

<pallas_src>
import functools

import jax
import jax.numpy as jnp
from jax import lax
from jax.experimental import pallas as pl
from jax.experimental.pallas import tpu as pltpu
from jax.experimental.pallas import tpu_sc as plsc

NC = 2
NS = 16
NW = NC * NS
CHUNK = 128
NBUF = 8


@functools.partial(jax.jit, static_argnames=("d",))
def _gather(table, xt, *, d):
    seq_len, n_seq = xt.shape
    s_per_w = n_seq // NW
    sblocks = s_per_w // CHUNK
    n_chunks = seq_len * sblocks
    assert n_chunks % NBUF == 0
    n_groups = n_chunks // NBUF
    mesh = plsc.VectorSubcoreMesh(core_axis_name="c", subcore_axis_name="s")

    @functools.partial(
        pl.kernel,
        mesh=mesh,
        compiler_params=pltpu.CompilerParams(use_tc_tiling_on_sc=False),
        out_type=jax.ShapeDtypeStruct((n_seq, seq_len, d), jnp.float32),
        scratch_types=[
            pltpu.VMEM((seq_len, s_per_w), jnp.int32),
            pltpu.VMEM((NBUF, CHUNK, d), jnp.float32),
            [pltpu.SemaphoreType.DMA] * NBUF,
            [pltpu.SemaphoreType.DMA] * NBUF,
        ],
    )
    def k(table_hbm, xt_hbm, out_hbm, idx_v, rows_v, gsems, wsems):
        wid = lax.axis_index("s") * NC + lax.axis_index("c")
        base = wid * s_per_w
        pltpu.sync_copy(xt_hbm.at[:, pl.ds(base, s_per_w)], idx_v)

        def group(g, carry):
            for b in range(NBUF):
                j = g * NBUF + b
                p = j // sblocks
                sb = j % sblocks

                @pl.when(g > 0)
                def _wait_write(b=b):
                    pltpu.make_async_copy(
                        rows_v.at[b], out_hbm.at[pl.ds(0, CHUNK), 0], wsems[b]
                    ).wait()

                pltpu.async_copy(
                    table_hbm.at[idx_v.at[p, pl.ds(sb * CHUNK, CHUNK)]],
                    rows_v.at[b],
                    gsems[b],
                )
            for b in range(NBUF):
                j = g * NBUF + b
                p = j // sblocks
                sb = j % sblocks
                pltpu.make_async_copy(
                    table_hbm.at[pl.ds(0, CHUNK)], rows_v.at[b], gsems[b]
                ).wait()
                pltpu.async_copy(
                    rows_v.at[b],
                    out_hbm.at[pl.ds(base + sb * CHUNK, CHUNK), p],
                    wsems[b],
                )
            return carry

        lax.fori_loop(0, n_groups, group, 0)
        for b in range(NBUF):
            pltpu.make_async_copy(
                rows_v.at[b], out_hbm.at[pl.ds(0, CHUNK), 0], wsems[b]
            ).wait()

    return k(table, xt)


def kernel(x, table):
    n_seq, seq_len = x.shape
    d = table.shape[1]
    xt = jnp.transpose(x.astype(jnp.int32))
    per = NW * CHUNK
    pad = (-n_seq) % per
    if pad:
        xt = jnp.concatenate([xt, jnp.zeros((seq_len, pad), jnp.int32)], axis=1)
    if (seq_len * ((n_seq + pad) // per)) % NBUF:
        extra = 0
        while (seq_len * ((n_seq + pad + extra) // per)) % NBUF:
            extra += per
        xt = jnp.concatenate([xt, jnp.zeros((seq_len, extra), jnp.int32)], axis=1)
        pad += extra
    out = _gather(table, xt, d=d)
    if pad:
        out = out[:n_seq]
    return out

# --- scband reference (transcript-rebuilt; emitter-appended) ---
"""Pipeline reference for scband-single-token-dequantizer-45200235823579 (READ-ONLY COPY).

The authoritative reference and input builder live on the scoring server;
editing this copy changes nothing except your own understanding.
"""

import jax, jax.numpy as jnp
import numpy as np

N_VOCAB = 100000
CODE_DIM = 64

def setup_inputs(seed: int = 0) -> dict:
    key = jax.random.key(seed)
    k_idx, k_tab = jax.random.split(key)
    x = jax.random.randint(k_idx, (16384, 50), 0, N_VOCAB, dtype=jnp.int64 if jax.config.jax_enable_x64 else jnp.int32)
    # nn.Embedding default init: N(0, 1)
    table = jax.random.normal(k_tab, (N_VOCAB, CODE_DIM), dtype=jnp.float32)
    return {"x": x, "table": table}

def reference(x, table):
    # Embedding lookup: gather rows of the codebook table by token index.
    return jnp.take(table, x, axis=0)

if __name__ == "__main__":
    import jax
    _d = setup_inputs()
    print(jax.jit(kernel)(*tuple(_d.values())))

</pallas_src>

<mosaic_0001>
#map = affine_map<(d0, d1) -> (0, 0)>
#map1 = affine_map<(d0, d1) -> (0, 0, 0)>
module attributes {stable_mosaic.version = 14 : i64} {
  func.func @k(%arg0: i32, %arg1: i32, %arg2: memref<100000x64xf32, #tpu.memory_space<hbm>>, %arg3: memref<50x16384xi32, #tpu.memory_space<hbm>>, %arg4: memref<16384x50x64xf32, #tpu.memory_space<hbm>>, %arg5: memref<50x512xi32, #tpu.memory_space<vmem>>, %arg6: memref<8x128x64xf32, #tpu.memory_space<vmem>>, %arg7: memref<!tpu.dma_semaphore, #tpu.memory_space<semaphore_mem>>, %arg8: memref<!tpu.dma_semaphore, #tpu.memory_space<semaphore_mem>>, %arg9: memref<!tpu.dma_semaphore, #tpu.memory_space<semaphore_mem>>, %arg10: memref<!tpu.dma_semaphore, #tpu.memory_space<semaphore_mem>>, %arg11: memref<!tpu.dma_semaphore, #tpu.memory_space<semaphore_mem>>, %arg12: memref<!tpu.dma_semaphore, #tpu.memory_space<semaphore_mem>>, %arg13: memref<!tpu.dma_semaphore, #tpu.memory_space<semaphore_mem>>, %arg14: memref<!tpu.dma_semaphore, #tpu.memory_space<semaphore_mem>>, %arg15: memref<!tpu.dma_semaphore, #tpu.memory_space<semaphore_mem>>, %arg16: memref<!tpu.dma_semaphore, #tpu.memory_space<semaphore_mem>>, %arg17: memref<!tpu.dma_semaphore, #tpu.memory_space<semaphore_mem>>, %arg18: memref<!tpu.dma_semaphore, #tpu.memory_space<semaphore_mem>>, %arg19: memref<!tpu.dma_semaphore, #tpu.memory_space<semaphore_mem>>, %arg20: memref<!tpu.dma_semaphore, #tpu.memory_space<semaphore_mem>>, %arg21: memref<!tpu.dma_semaphore, #tpu.memory_space<semaphore_mem>>, %arg22: memref<!tpu.dma_semaphore, #tpu.memory_space<semaphore_mem>>) attributes {dimension_semantics = [#tpu.dimension_semantics<core_parallel>, #tpu.dimension_semantics<subcore_parallel>], iteration_bounds = array<i64: 2, 16>, scalar_prefetch = 0 : i64, scratch_operands = 18 : i64, tpu.core_type = #tpu.core_type<sc_vector_subcore>, window_params = [{transform_indices = #map}, {transform_indices = #map}, {transform_indices = #map1}]} {
    %mul3A = arith.constant 2 : i32
    %mul3A_0 = arith.muli %arg1, %mul3A : i32
    %add3A = arith.addi %mul3A_0, %arg0 : i32
    %mul3A_1 = arith.constant 512 : i32
    %mul3A_2 = arith.muli %add3A, %mul3A_1 : i32
    "tpu.region"() ({
      %run_scoped3A = tpu.sem_alloc : memref<!tpu.dma_semaphore, #tpu.memory_space<semaphore_mem>>
      %dma_start3A = arith.constant 0 : i32
      %dma_start3A_151 = tpu.memref_slice %arg3[%dma_start3A, %mul3A_2] : memref<50x16384xi32, #tpu.memory_space<hbm>> -> memref<50x512xi32, #tpu.memory_space<hbm>>
      %dma_start3A_152 = arith.constant 0 : i32
      %dma_start3A_153 = tpu.memref_slice %arg3[%dma_start3A_152, %mul3A_2] : memref<50x16384xi32, #tpu.memory_space<hbm>> -> memref<50x512xi32, #tpu.memory_space<hbm>>
      tpu.enqueue_dma source(%dma_start3A_153 : memref<50x512xi32, #tpu.memory_space<hbm>>) target(%arg5 : memref<50x512xi32, #tpu.memory_space<vmem>>) target_semaphore(%run_scoped3A : memref<!tpu.dma_semaphore, #tpu.memory_space<semaphore_mem>>)
      %dma_wait3A_154 = arith.constant 0 : i32
      %dma_wait3A_155 = tpu.memref_slice %arg3[%dma_wait3A_154, %mul3A_2] : memref<50x16384xi32, #tpu.memory_space<hbm>> -> memref<50x512xi32, #tpu.memory_space<hbm>>
      %dma_wait3A_156 = arith.constant 0 : i32
      %dma_wait3A_157 = tpu.memref_slice %arg3[%dma_wait3A_156, %mul3A_2] : memref<50x16384xi32, #tpu.memory_space<hbm>> -> memref<50x512xi32, #tpu.memory_space<hbm>>
      tpu.wait_dma2 semaphore(%run_scoped3A : memref<!tpu.dma_semaphore, #tpu.memory_space<semaphore_mem>>) src(%dma_wait3A_157 : memref<50x512xi32, #tpu.memory_space<hbm>>) dst(%arg5 : memref<50x512xi32, #tpu.memory_space<vmem>>)
      tpu.yield
    }) : () -> ()
    %scan3A = arith.constant 0 : i32
    %scan3A_3 = arith.constant 0 : i32
    %scan3A_4 = arith.constant 25 : i32
    %scan3A_5 = arith.addi %scan3A_3, %scan3A_4 : i32
    %scan3A_6 = arith.constant 1 : i32
    scf.for %scan3A_151 = %scan3A_3 to %scan3A_5 step %scan3A_6  : i32 {
      %mul3A_152 = arith.constant 8 : i32
      %mul3A_153 = arith.muli %scan3A_151, %mul3A_152 : i32
      %add3A_154 = arith.constant 0 : i32
      %add3A_155 = arith.addi %mul3A_153, %add3A_154 : i32
      %jit3A = arith.constant 4 : i32
      %div3A = arith.divsi %add3A_155, %jit3A : i32
      %sign3A = arith.constant 0 : i32
      %sign3A_156 = arith.cmpi sgt, %add3A_155, %sign3A : i32
      %sign3A_157 = arith.extui %sign3A_156 : i1 to i32
      %sign3A_158 = arith.constant 0 : i32
      %sign3A_159 = arith.cmpi slt, %add3A_155, %sign3A_158 : i32
      %sign3A_160 = arith.extui %sign3A_159 : i1 to i32
      %sign3A_161 = arith.subi %sign3A_157, %sign3A_160 : i32
      %sign3A_162 = arith.constant 0 : i32
      %sign3A_163 = arith.cmpi sgt, %jit3A, %sign3A_162 : i32
      %sign3A_164 = arith.extui %sign3A_163 : i1 to i32
      %sign3A_165 = arith.constant 0 : i32
      %sign3A_166 = arith.cmpi slt, %jit3A, %sign3A_165 : i32
      %sign3A_167 = arith.extui %sign3A_166 : i1 to i32
      %sign3A_168 = arith.subi %sign3A_164, %sign3A_167 : i32
      %ne3A = arith.cmpi ne, %sign3A_161, %sign3A_168 : i32
      %rem3A = arith.remsi %add3A_155, %jit3A : i32
      %ne3A_169 = arith.constant 0 : i32
      %ne3A_170 = arith.cmpi ne, %rem3A, %ne3A_169 : i32
      %and3A = arith.andi %ne3A, %ne3A_170 : i1
      %sub3A = arith.constant 1 : i32
      %sub3A_171 = arith.subi %div3A, %sub3A : i32
      %select_n3A = arith.select %and3A, %sub3A_171, %div3A : i32
      %jit3A_172 = arith.constant 4 : i32
      %eq3A = arith.constant 0 : i32
      %eq3A_173 = arith.cmpi eq, %jit3A_172, %eq3A : i32
      %jit3A_174 = arith.constant 1 : i32
      %select_n3A_175 = arith.select %eq3A_173, %jit3A_174, %jit3A_172 : i32
      %rem3A_176 = arith.remsi %add3A_155, %select_n3A_175 : i32
      %ne3A_177 = arith.constant 0 : i32
      %ne3A_178 = arith.cmpi ne, %rem3A_176, %ne3A_177 : i32
      %lt3A = arith.constant 0 : i32
      %lt3A_179 = arith.cmpi slt, %rem3A_176, %lt3A : i32
      %lt3A_180 = arith.constant 0 : i32
      %lt3A_181 = arith.cmpi slt, %select_n3A_175, %lt3A_180 : i32
      %ne3A_182 = arith.xori %lt3A_179, %lt3A_181 : i1
      %and3A_183 = arith.andi %ne3A_182, %ne3A_178 : i1
      %add3A_184 = arith.addi %rem3A_176, %select_n3A_175 : i32
      %select_n3A_185 = arith.select %and3A_183, %add3A_184, %rem3A_176 : i32
      %gt3A = arith.constant 0 : i32
      %gt3A_186 = arith.cmpi sgt, %scan3A_151, %gt3A : i32
      %convert_element_type3A = arith.extui %gt3A_186 : i1 to i32
      %cond3A = arith.constant 0 : i32
      %cond3A_187 = arith.cmpi ne, %convert_element_type3A, %cond3A : i32
      scf.if %cond3A_187 {
        %dma_wait3A_1242 = arith.constant 0 : i32
        %dma_wait3A_1243 = arith.constant 0 : i32
        %dma_wait3A_1244 = arith.constant 0 : i32
        %dma_wait3A_1245 = arith.constant 0 : i32
        %dma_wait3A_1246 = tpu.memref_slice %arg6[%dma_wait3A_1242, %dma_wait3A_1244, %dma_wait3A_1245] : memref<8x128x64xf32, #tpu.memory_space<vmem>> -> memref<1x128x64xf32, #tpu.memory_space<vmem>>
        %dma_wait3A_1247 = tpu.memref_squeeze %dma_wait3A_1246 : memref<1x128x64xf32, #tpu.memory_space<vmem>> -> memref<128x64xf32, #tpu.memory_space<vmem>>
        %dma_wait3A_1248 = arith.constant 0 : i32
        %dma_wait3A_1249 = arith.constant 0 : i32
        %dma_wait3A_1250 = tpu.memref_slice %arg4[%dma_wait3A_1248, %dma_wait3A_1243, %dma_wait3A_1249] : memref<16384x50x64xf32, #tpu.memory_space<hbm>> -> memref<128x1x64xf32, #tpu.memory_space<hbm>>
        %dma_wait3A_1251 = tpu.memref_squeeze %dma_wait3A_1250 : memref<128x1x64xf32, #tpu.memory_space<hbm>> -> memref<128x64xf32, #tpu.memory_space<hbm>>
        %dma_wait3A_1252 = arith.constant 0 : i32
        %dma_wait3A_1253 = arith.constant 0 : i32
        %dma_wait3A_1254 = tpu.memref_slice %arg4[%dma_wait3A_1252, %dma_wait3A_1243, %dma_wait3A_1253] : memref<16384x50x64xf32, #tpu.memory_space<hbm>> -> memref<128x1x64xf32, #tpu.memory_space<hbm>>
        %dma_wait3A_1255 = tpu.memref_squeeze %dma_wait3A_1254 : memref<128x1x64xf32, #tpu.memory_space<hbm>> -> memref<128x64xf32, #tpu.memory_space<hbm>>
        %dma_wait3A_1256 = arith.constant 0 : i32
        %dma_wait3A_1257 = arith.constant 0 : i32
        %dma_wait3A_1258 = tpu.memref_slice %arg6[%dma_wait3A_1242, %dma_wait3A_1256, %dma_wait3A_1257] : memref<8x128x64xf32, #tpu.memory_space<vmem>> -> memref<1x128x64xf32, #tpu.memory_space<vmem>>
        %dma_wait3A_1259 = tpu.memref_squeeze %dma_wait3A_1258 : memref<1x128x64xf32, #tpu.memory_space<vmem>> -> memref<128x64xf32, #tpu.memory_space<vmem>>
        tpu.wait_dma2 semaphore(%arg15 : memref<!tpu.dma_semaphore, #tpu.memory_space<semaphore_mem>>) src(%dma_wait3A_1259 : memref<128x64xf32, #tpu.memory_space<vmem>>) dst(%dma_wait3A_1255 : memref<128x64xf32, #tpu.memory_space<hbm>>)
      } else {
      }
      %mul3A_188 = arith.constant 128 : i32
      %mul3A_189 = arith.muli %select_n3A_185, %mul3A_188 : i32
      %dma_start3A = arith.constant 0 : i32
      %dma_start3A_190 = arith.constant 0 : i32
      %dma_start3A_191 = arith.constant 0 : i32
      %dma_start3A_192 = tpu.memref_slice %arg6[%dma_start3A, %dma_start3A_190, %dma_start3A_191] : memref<8x128x64xf32, #tpu.memory_space<vmem>> -> memref<1x128x64xf32, #tpu.memory_space<vmem>>
      %dma_start3A_193 = tpu.memref_squeeze %dma_start3A_192 : memref<1x128x64xf32, #tpu.memory_space<vmem>> -> memref<128x64xf32, #tpu.memory_space<vmem>>
      %dma_start3A_194 = tpu.memref_slice %arg5[%select_n3A, %mul3A_189] : memref<50x512xi32, #tpu.memory_space<vmem>> -> memref<1x128xi32, #tpu.memory_space<vmem>>
      %dma_start3A_195 = tpu.memref_squeeze %dma_start3A_194 : memref<1x128xi32, #tpu.memory_space<vmem>> -> memref<128xi32, #tpu.memory_space<vmem>>
      %dma_start3A_196 = arith.constant 0 : i32
      %dma_start3A_197 = arith.constant 0 : i32
      %dma_start3A_198 = tpu.memref_slice %arg2[%dma_start3A_196, %dma_start3A_197] : memref<100000x64xf32, #tpu.memory_space<hbm>> -> memref<100000x64xf32, #tpu.memory_space<hbm>>
      tpu.enqueue_indirect_dma source(%dma_start3A_198 : memref<100000x64xf32, #tpu.memory_space<hbm>>) target(%dma_start3A_193 : memref<128x64xf32, #tpu.memory_space<vmem>>) offsets(%dma_start3A_195 : memref<128xi32, #tpu.memory_space<vmem>>) semaphore(%arg7 : memref<!tpu.dma_semaphore, #tpu.memory_space<semaphore_mem>>)
      %mul3A_199 = arith.constant 8 : i32
      %mul3A_200 = arith.muli %scan3A_151, %mul3A_199 : i32
      %add3A_201 = arith.constant 1 : i32
      %add3A_202 = arith.addi %mul3A_200, %add3A_201 : i32
      %jit3A_203 = arith.constant 4 : i32
      %div3A_204 = arith.divsi %add3A_202, %jit3A_203 : i32
      %sign3A_205 = arith.constant 0 : i32
      %sign3A_206 = arith.cmpi sgt, %add3A_202, %sign3A_205 : i32
      %sign3A_207 = arith.extui %sign3A_206 : i1 to i32
      %sign3A_208 = arith.constant 0 : i32
      %sign3A_209 = arith.cmpi slt, %add3A_202, %sign3A_208 : i32
      %sign3A_210 = arith.extui %sign3A_209 : i1 to i32
      %sign3A_211 = arith.subi %sign3A_207, %sign3A_210 : i32
      %sign3A_212 = arith.constant 0 : i32
      %sign3A_213 = arith.cmpi sgt, %jit3A_203, %sign3A_212 : i32
      %sign3A_214 = arith.extui %sign3A_213 : i1 to i32
      %sign3A_215 = arith.constant 0 : i32
      %sign3A_216 = arith.cmpi slt, %jit3A_203, %sign3A_215 : i32
      %sign3A_217 = arith.extui %sign3A_216 : i1 to i32
      %sign3A_218 = arith.subi %sign3A_214, %sign3A_217 : i32
      %ne3A_219 = arith.cmpi ne, %sign3A_211, %sign3A_218 : i32
      %rem3A_220 = arith.remsi %add3A_202, %jit3A_203 : i32
      %ne3A_221 = arith.constant 0 : i32
      %ne3A_222 = arith.cmpi ne, %rem3A_220, %ne3A_221 : i32
      %and3A_223 = arith.andi %ne3A_219, %ne3A_222 : i1
      %sub3A_224 = arith.constant 1 : i32
      %sub3A_225 = arith.subi %div3A_204, %sub3A_224 : i32
      %select_n3A_226 = arith.select %and3A_223, %sub3A_225, %div3A_204 : i32
      %jit3A_227 = arith.constant 4 : i32
      %eq3A_228 = arith.constant 0 : i32
      %eq3A_229 = arith.cmpi eq, %jit3A_227, %eq3A_228 : i32
      %jit3A_230 = arith.constant 1 : i32
      %select_n3A_231 = arith.select %eq3A_229, %jit3A_230, %jit3A_227 : i32
      %rem3A_232 = arith.remsi %add3A_202, %select_n3A_231 : i32
      %ne3A_233 = arith.constant 0 : i32
      %ne3A_234 = arith.cmpi ne, %rem3A_232, %ne3A_233 : i32
      %lt3A_235 = arith.constant 0 : i32
      %lt3A_236 = arith.cmpi slt, %rem3A_232, %lt3A_235 : i32
      %lt3A_237 = arith.constant 0 : i32
      %lt3A_238 = arith.cmpi slt, %select_n3A_231, %lt3A_237 : i32
      %ne3A_239 = arith.xori %lt3A_236, %lt3A_238 : i1
      %and3A_240 = arith.andi %ne3A_239, %ne3A_234 : i1
      %add3A_241 = arith.addi %rem3A_232, %select_n3A_231 : i32
      %select_n3A_242 = arith.select %and3A_240, %add3A_241, %rem3A_232 : i32
      %gt3A_243 = arith.constant 0 : i32
      %gt3A_244 = arith.cmpi sgt, %scan3A_151, %gt3A_243 : i32
      %convert_element_type3A_245 = arith.extui %gt3A_244 : i1 to i32
      %cond3A_246 = arith.constant 0 : i32
      %cond3A_247 = arith.cmpi ne, %convert_element_type3A_245, %cond3A_246 : i32
      scf.if %cond3A_247 {
        %dma_wait3A_1242 = arith.constant 1 : i32
        %dma_wait3A_1243 = arith.constant 0 : i32
        %dma_wait3A_1244 = arith.constant 0 : i32
        %dma_wait3A_1245 = arith.constant 0 : i32
        %dma_wait3A_1246 = tpu.memref_slice %arg6[%dma_wait3A_1242, %dma_wait3A_1244, %dma_wait3A_1245] : memref<8x128x64xf32, #tpu.memory_space<vmem>> -> memref<1x128x64xf32, #tpu.memory_space<vmem>>
        %dma_wait3A_1247 = tpu.memref_squeeze %dma_wait3A_1246 : memref<1x128x64xf32, #tpu.memory_space<vmem>> -> memref<128x64xf32, #tpu.memory_space<vmem>>
        %dma_wait3A_1248 = arith.constant 0 : i32
        %dma_wait3A_1249 = arith.constant 0 : i32
        %dma_wait3A_1250 = tpu.memref_slice %arg4[%dma_wait3A_1248, %dma_wait3A_1243, %dma_wait3A_1249] : memref<16384x50x64xf32, #tpu.memory_space<hbm>> -> memref<128x1x64xf32, #tpu.memory_space<hbm>>
        %dma_wait3A_1251 = tpu.memref_squeeze %dma_wait3A_1250 : memref<128x1x64xf32, #tpu.memory_space<hbm>> -> memref<128x64xf32, #tpu.memory_space<hbm>>
        %dma_wait3A_1252 = arith.constant 0 : i32
        %dma_wait3A_1253 = arith.constant 0 : i32
        %dma_wait3A_1254 = tpu.memref_slice %arg4[%dma_wait3A_1252, %dma_wait3A_1243, %dma_wait3A_1253] : memref<16384x50x64xf32, #tpu.memory_space<hbm>> -> memref<128x1x64xf32, #tpu.memory_space<hbm>>
        %dma_wait3A_1255 = tpu.memref_squeeze %dma_wait3A_1254 : memref<128x1x64xf32, #tpu.memory_space<hbm>> -> memref<128x64xf32, #tpu.memory_space<hbm>>
        %dma_wait3A_1256 = arith.constant 0 : i32
        %dma_wait3A_1257 = arith.constant 0 : i32
        %dma_wait3A_1258 = tpu.memref_slice %arg6[%dma_wait3A_1242, %dma_wait3A_1256, %dma_wait3A_1257] : memref<8x128x64xf32, #tpu.memory_space<vmem>> -> memref<1x128x64xf32, #tpu.memory_space<vmem>>
        %dma_wait3A_1259 = tpu.memref_squeeze %dma_wait3A_1258 : memref<1x128x64xf32, #tpu.memory_space<vmem>> -> memref<128x64xf32, #tpu.memory_space<vmem>>
        tpu.wait_dma2 semaphore(%arg16 : memref<!tpu.dma_semaphore, #tpu.memory_space<semaphore_mem>>) src(%dma_wait3A_1259 : memref<128x64xf32, #tpu.memory_space<vmem>>) dst(%dma_wait3A_1255 : memref<128x64xf32, #tpu.memory_space<hbm>>)
      } else {
      }
      %mul3A_248 = arith.constant 128 : i32
      %mul3A_249 = arith.muli %select_n3A_242, %mul3A_248 : i32
      %dma_start3A_250 = arith.constant 1 : i32
      %dma_start3A_251 = arith.constant 0 : i32
      %dma_start3A_252 = arith.constant 0 : i32
      %dma_start3A_253 = tpu.memref_slice %arg6[%dma_start3A_250, %dma_start3A_251, %dma_start3A_252] : memref<8x128x64xf32, #tpu.memory_space<vmem>> -> memref<1x128x64xf32, #tpu.memory_space<vmem>>
      %dma_start3A_254 = tpu.memref_squeeze %dma_start3A_253 : memref<1x128x64xf32, #tpu.memory_space<vmem>> -> memref<128x64xf32, #tpu.memory_space<vmem>>
      %dma_start3A_255 = tpu.memref_slice %arg5[%select_n3A_226, %mul3A_249] : memref<50x512xi32, #tpu.memory_space<vmem>> -> memref<1x128xi32, #tpu.memory_space<vmem>>
      %dma_start3A_256 = tpu.memref_squeeze %dma_start3A_255 : memref<1x128xi32, #tpu.memory_space<vmem>> -> memref<128xi32, #tpu.memory_space<vmem>>
      %dma_start3A_257 = arith.constant 0 : i32
      %dma_start3A_258 = arith.constant 0 : i32
      %dma_start3A_259 = tpu.memref_slice %arg2[%dma_start3A_257, %dma_start3A_258] : memref<100000x64xf32, #tpu.memory_space<hbm>> -> memref<100000x64xf32, #tpu.memory_space<hbm>>
      tpu.enqueue_indirect_dma source(%dma_start3A_259 : memref<100000x64xf32, #tpu.memory_space<hbm>>) target(%dma_start3A_254 : memref<128x64xf32, #tpu.memory_space<vmem>>) offsets(%dma_start3A_256 : memref<128xi32, #tpu.memory_space<vmem>>) semaphore(%arg8 : memref<!tpu.dma_semaphore, #tpu.memory_space<semaphore_mem>>)
      %mul3A_260 = arith.constant 8 : i32
      %mul3A_261 = arith.muli %scan3A_151, %mul3A_260 : i32
      %add3A_262 = arith.constant 2 : i32
      %add3A_263 = arith.addi %mul3A_261, %add3A_262 : i32
      %jit3A_264 = arith.constant 4 : i32
      %div3A_265 = arith.divsi %add3A_263, %jit3A_264 : i32
      %sign3A_266 = arith.constant 0 : i32
      %sign3A_267 = arith.cmpi sgt, %add3A_263, %sign3A_266 : i32
      %sign3A_268 = arith.extui %sign3A_267 : i1 to i32
      %sign3A_269 = arith.constant 0 : i32
      %sign3A_270 = arith.cmpi slt, %add3A_263, %sign3A_269 : i32
      %sign3A_271 = arith.extui %sign3A_270 : i1 to i32
      %sign3A_272 = arith.subi %sign3A_268, %sign3A_271 : i32
      %sign3A_273 = arith.constant 0 : i32
      %sign3A_274 = arith.cmpi sgt, %jit3A_264, %sign3A_273 : i32
      %sign3A_275 = arith.extui %sign3A_274 : i1 to i32
      %sign3A_276 = arith.constant 0 : i32
      %sign3A_277 = arith.cmpi slt, %jit3A_264, %sign3A_276 : i32
      %sign3A_278 = arith.extui %sign3A_277 : i1 to i32
      %sign3A_279 = arith.subi %sign3A_275, %sign3A_278 : i32
      %ne3A_280 = arith.cmpi ne, %sign3A_272, %sign3A_279 : i32
      %rem3A_281 = arith.remsi %add3A_263, %jit3A_264 : i32
      %ne3A_282 = arith.constant 0 : i32
      %ne3A_283 = arith.cmpi ne, %rem3A_281, %ne3A_282 : i32
      %and3A_284 = arith.andi %ne3A_280, %ne3A_283 : i1
      %sub3A_285 = arith.constant 1 : i32
      %sub3A_286 = arith.subi %div3A_265, %sub3A_285 : i32
      %select_n3A_287 = arith.select %and3A_284, %sub3A_286, %div3A_265 : i32
      %jit3A_288 = arith.constant 4 : i32
      %eq3A_289 = arith.constant 0 : i32
      %eq3A_290 = arith.cmpi eq, %jit3A_288, %eq3A_289 : i32
      %jit3A_291 = arith.constant 1 : i32
      %select_n3A_292 = arith.select %eq3A_290, %jit3A_291, %jit3A_288 : i32
      %rem3A_293 = arith.remsi %add3A_263, %select_n3A_292 : i32
      %ne3A_294 = arith.constant 0 : i32
      %ne3A_295 = arith.cmpi ne, %rem3A_293, %ne3A_294 : i32
      %lt3A_296 = arith.constant 0 : i32
      %lt3A_297 = arith.cmpi slt, %rem3A_293, %lt3A_296 : i32
      %lt3A_298 = arith.constant 0 : i32
      %lt3A_299 = arith.cmpi slt, %select_n3A_292, %lt3A_298 : i32
      %ne3A_300 = arith.xori %lt3A_297, %lt3A_299 : i1
      %and3A_301 = arith.andi %ne3A_300, %ne3A_295 : i1
      %add3A_302 = arith.addi %rem3A_293, %select_n3A_292 : i32
      %select_n3A_303 = arith.select %and3A_301, %add3A_302, %rem3A_293 : i32
      %gt3A_304 = arith.constant 0 : i32
      %gt3A_305 = arith.cmpi sgt, %scan3A_151, %gt3A_304 : i32
      %convert_element_type3A_306 = arith.extui %gt3A_305 : i1 to i32
      %cond3A_307 = arith.constant 0 : i32
      %cond3A_308 = arith.cmpi ne, %convert_element_type3A_306, %cond3A_307 : i32
      scf.if %cond3A_308 {
        %dma_wait3A_1242 = arith.constant 2 : i32
        %dma_wait3A_1243 = arith.constant 0 : i32
        %dma_wait3A_1244 = arith.constant 0 : i32
        %dma_wait3A_1245 = arith.constant 0 : i32
        %dma_wait3A_1246 = tpu.memref_slice %arg6[%dma_wait3A_1242, %dma_wait3A_1244, %dma_wait3A_1245] : memref<8x128x64xf32, #tpu.memory_space<vmem>> -> memref<1x128x64xf32, #tpu.memory_space<vmem>>
        %dma_wait3A_1247 = tpu.memref_squeeze %dma_wait3A_1246 : memref<1x128x64xf32, #tpu.memory_space<vmem>> -> memref<128x64xf32, #tpu.memory_space<vmem>>
        %dma_wait3A_1248 = arith.constant 0 : i32
        %dma_wait3A_1249 = arith.constant 0 : i32
        %dma_wait3A_1250 = tpu.memref_slice %arg4[%dma_wait3A_1248, %dma_wait3A_1243, %dma_wait3A_1249] : memref<16384x50x64xf32, #tpu.memory_space<hbm>> -> memref<128x1x64xf32, #tpu.memory_space<hbm>>
        %dma_wait3A_1251 = tpu.memref_squeeze %dma_wait3A_1250 : memref<128x1x64xf32, #tpu.memory_space<hbm>> -> memref<128x64xf32, #tpu.memory_space<hbm>>
        %dma_wait3A_1252 = arith.constant 0 : i32
        %dma_wait3A_1253 = arith.constant 0 : i32
        %dma_wait3A_1254 = tpu.memref_slice %arg4[%dma_wait3A_1252, %dma_wait3A_1243, %dma_wait3A_1253] : memref<16384x50x64xf32, #tpu.memory_space<hbm>> -> memref<128x1x64xf32, #tpu.memory_space<hbm>>
        %dma_wait3A_1255 = tpu.memref_squeeze %dma_wait3A_1254 : memref<128x1x64xf32, #tpu.memory_space<hbm>> -> memref<128x64xf32, #tpu.memory_space<hbm>>
        %dma_wait3A_1256 = arith.constant 0 : i32
        %dma_wait3A_1257 = arith.constant 0 : i32
        %dma_wait3A_1258 = tpu.memref_slice %arg6[%dma_wait3A_1242, %dma_wait3A_1256, %dma_wait3A_1257] : memref<8x128x64xf32, #tpu.memory_space<vmem>> -> memref<1x128x64xf32, #tpu.memory_space<vmem>>
        %dma_wait3A_1259 = tpu.memref_squeeze %dma_wait3A_1258 : memref<1x128x64xf32, #tpu.memory_space<vmem>> -> memref<128x64xf32, #tpu.memory_space<vmem>>
        tpu.wait_dma2 semaphore(%arg17 : memref<!tpu.dma_semaphore, #tpu.memory_space<semaphore_mem>>) src(%dma_wait3A_1259 : memref<128x64xf32, #tpu.memory_space<vmem>>) dst(%dma_wait3A_1255 : memref<128x64xf32, #tpu.memory_space<hbm>>)
      } else {
      }
      %mul3A_309 = arith.constant 128 : i32
      %mul3A_310 = arith.muli %select_n3A_303, %mul3A_309 : i32
      %dma_start3A_311 = arith.constant 2 : i32
      %dma_start3A_312 = arith.constant 0 : i32
      %dma_start3A_313 = arith.constant 0 : i32
      %dma_start3A_314 = tpu.memref_slice %arg6[%dma_start3A_311, %dma_start3A_312, %dma_start3A_313] : memref<8x128x64xf32, #tpu.memory_space<vmem>> -> memref<1x128x64xf32, #tpu.memory_space<vmem>>
      %dma_start3A_315 = tpu.memref_squeeze %dma_start3A_314 : memref<1x128x64xf32, #tpu.memory_space<vmem>> -> memref<128x64xf32, #tpu.memory_space<vmem>>
      %dma_start3A_316 = tpu.memref_slice %arg5[%select_n3A_287, %mul3A_310] : memref<50x512xi32, #tpu.memory_space<vmem>> -> memref<1x128xi32, #tpu.memory_space<vmem>>
      %dma_start3A_317 = tpu.memref_squeeze %dma_start3A_316 : memref<1x128xi32, #tpu.memory_space<vmem>> -> memref<128xi32, #tpu.memory_space<vmem>>
      %dma_start3A_318 = arith.constant 0 : i32
      %dma_start3A_319 = arith.constant 0 : i32
      %dma_start3A_320 = tpu.memref_slice %arg2[%dma_start3A_318, %dma_start3A_319] : memref<100000x64xf32, #tpu.memory_space<hbm>> -> memref<100000x64xf32, #tpu.memory_space<hbm>>
      tpu.enqueue_indirect_dma source(%dma_start3A_320 : memref<100000x64xf32, #tpu.memory_space<hbm>>) target(%dma_start3A_315 : memref<128x64xf32, #tpu.memory_space<vmem>>) offsets(%dma_start3A_317 : memref<128xi32, #tpu.memory_space<vmem>>) semaphore(%arg9 : memref<!tpu.dma_semaphore, #tpu.memory_space<semaphore_mem>>)
      %mul3A_321 = arith.constant 8 : i32
      %mul3A_322 = arith.muli %scan3A_151, %mul3A_321 : i32
      %add3A_323 = arith.constant 3 : i32
      %add3A_324 = arith.addi %mul3A_322, %add3A_323 : i32
      %jit3A_325 = arith.constant 4 : i32
      %div3A_326 = arith.divsi %add3A_324, %jit3A_325 : i32
      %sign3A_327 = arith.constant 0 : i32
      %sign3A_328 = arith.cmpi sgt, %add3A_324, %sign3A_327 : i32
      %sign3A_329 = arith.extui %sign3A_328 : i1 to i32
      %sign3A_330 = arith.constant 0 : i32
      %sign3A_331 = arith.cmpi slt, %add3A_324, %sign3A_330 : i32
      %sign3A_332 = arith.extui %sign3A_331 : i1 to i32
      %sign3A_333 = arith.subi %sign3A_329, %sign3A_332 : i32
      %sign3A_334 = arith.constant 0 : i32
      %sign3A_335 = arith.cmpi sgt, %jit3A_325, %sign3A_334 : i32
      %sign3A_336 = arith.extui %sign3A_335 : i1 to i32
      %sign3A_337 = arith.constant 0 : i32
      %sign3A_338 = arith.cmpi slt, %jit3A_325, %sign3A_337 : i32
      %sign3A_339 = arith.extui %sign3A_338 : i1 to i32
      %sign3A_340 = arith.subi %sign3A_336, %sign3A_339 : i32
      %ne3A_341 = arith.cmpi ne, %sign3A_333, %sign3A_340 : i32
      %rem3A_342 = arith.remsi %add3A_324, %jit3A_325 : i32
      %ne3A_343 = arith.constant 0 : i32
      %ne3A_344 = arith.cmpi ne, %rem3A_342, %ne3A_343 : i32
      %and3A_345 = arith.andi %ne3A_341, %ne3A_344 : i1
      %sub3A_346 = arith.constant 1 : i32
      %sub3A_347 = arith.subi %div3A_326, %sub3A_346 : i32
      %select_n3A_348 = arith.select %and3A_345, %sub3A_347, %div3A_326 : i32
      %jit3A_349 = arith.constant 4 : i32
      %eq3A_350 = arith.constant 0 : i32
      %eq3A_351 = arith.cmpi eq, %jit3A_349, %eq3A_350 : i32
      %jit3A_352 = arith.constant 1 : i32
      %select_n3A_353 = arith.select %eq3A_351, %jit3A_352, %jit3A_349 : i32
      %rem3A_354 = arith.remsi %add3A_324, %select_n3A_353 : i32
      %ne3A_355 = arith.constant 0 : i32
      %ne3A_356 = arith.cmpi ne, %rem3A_354, %ne3A_355 : i32
      %lt3A_357 = arith.constant 0 : i32
      %lt3A_358 = arith.cmpi slt, %rem3A_354, %lt3A_357 : i32
      %lt3A_359 = arith.constant 0 : i32
      %lt3A_360 = arith.cmpi slt, %select_n3A_353, %lt3A_359 : i32
      %ne3A_361 = arith.xori %lt3A_358, %lt3A_360 : i1
      %and3A_362 = arith.andi %ne3A_361, %ne3A_356 : i1
      %add3A_363 = arith.addi %rem3A_354, %select_n3A_353 : i32
      %select_n3A_364 = arith.select %and3A_362, %add3A_363, %rem3A_354 : i32
      %gt3A_365 = arith.constant 0 : i32
      %gt3A_366 = arith.cmpi sgt, %scan3A_151, %gt3A_365 : i32
      %convert_element_type3A_367 = arith.extui %gt3A_366 : i1 to i32
      %cond3A_368 = arith.constant 0 : i32
      %cond3A_369 = arith.cmpi ne, %convert_element_type3A_367, %cond3A_368 : i32
      scf.if %cond3A_369 {
        %dma_wait3A_1242 = arith.constant 3 : i32
        %dma_wait3A_1243 = arith.constant 0 : i32
        %dma_wait3A_1244 = arith.constant 0 : i32
        %dma_wait3A_1245 = arith.constant 0 : i32
        %dma_wait3A_1246 = tpu.memref_slice %arg6[%dma_wait3A_1242, %dma_wait3A_1244, %dma_wait3A_1245] : memref<8x128x64xf32, #tpu.memory_space<vmem>> -> memref<1x128x64xf32, #tpu.memory_space<vmem>>
        %dma_wait3A_1247 = tpu.memref_squeeze %dma_wait3A_1246 : memref<1x128x64xf32, #tpu.memory_space<vmem>> -> memref<128x64xf32, #tpu.memory_space<vmem>>
        %dma_wait3A_1248 = arith.constant 0 : i32
        %dma_wait3A_1249 = arith.constant 0 : i32
        %dma_wait3A_1250 = tpu.memref_slice %arg4[%dma_wait3A_1248, %dma_wait3A_1243, %dma_wait3A_1249] : memref<16384x50x64xf32, #tpu.memory_space<hbm>> -> memref<128x1x64xf32, #tpu.memory_space<hbm>>
        %dma_wait3A_1251 = tpu.memref_squeeze %dma_wait3A_1250 : memref<128x1x64xf32, #tpu.memory_space<hbm>> -> memref<128x64xf32, #tpu.memory_space<hbm>>
        %dma_wait3A_1252 = arith.constant 0 : i32
        %dma_wait3A_1253 = arith.constant 0 : i32
        %dma_wait3A_1254 = tpu.memref_slice %arg4[%dma_wait3A_1252, %dma_wait3A_1243, %dma_wait3A_1253] : memref<16384x50x64xf32, #tpu.memory_space<hbm>> -> memref<128x1x64xf32, #tpu.memory_space<hbm>>
        %dma_wait3A_1255 = tpu.memref_squeeze %dma_wait3A_1254 : memref<128x1x64xf32, #tpu.memory_space<hbm>> -> memref<128x64xf32, #tpu.memory_space<hbm>>
        %dma_wait3A_1256 = arith.constant 0 : i32
        %dma_wait3A_1257 = arith.constant 0 : i32
        %dma_wait3A_1258 = tpu.memref_slice %arg6[%dma_wait3A_1242, %dma_wait3A_1256, %dma_wait3A_1257] : memref<8x128x64xf32, #tpu.memory_space<vmem>> -> memref<1x128x64xf32, #tpu.memory_space<vmem>>
        %dma_wait3A_1259 = tpu.memref_squeeze %dma_wait3A_1258 : memref<1x128x64xf32, #tpu.memory_space<vmem>> -> memref<128x64xf32, #tpu.memory_space<vmem>>
        tpu.wait_dma2 semaphore(%arg18 : memref<!tpu.dma_semaphore, #tpu.memory_space<semaphore_mem>>) src(%dma_wait3A_1259 : memref<128x64xf32, #tpu.memory_space<vmem>>) dst(%dma_wait3A_1255 : memref<128x64xf32, #tpu.memory_space<hbm>>)
      } else {
      }
      %mul3A_370 = arith.constant 128 : i32
      %mul3A_371 = arith.muli %select_n3A_364, %mul3A_370 : i32
      %dma_start3A_372 = arith.constant 3 : i32
      %dma_start3A_373 = arith.constant 0 : i32
      %dma_start3A_374 = arith.constant 0 : i32
      %dma_start3A_375 = tpu.memref_slice %arg6[%dma_start3A_372, %dma_start3A_373, %dma_start3A_374] : memref<8x128x64xf32, #tpu.memory_space<vmem>> -> memref<1x128x64xf32, #tpu.memory_space<vmem>>
      %dma_start3A_376 = tpu.memref_squeeze %dma_start3A_375 : memref<1x128x64xf32, #tpu.memory_space<vmem>> -> memref<128x64xf32, #tpu.memory_space<vmem>>
      %dma_start3A_377 = tpu.memref_slice %arg5[%select_n3A_348, %mul3A_371] : memref<50x512xi32, #tpu.memory_space<vmem>> -> memref<1x128xi32, #tpu.memory_space<vmem>>
      %dma_start3A_378 = tpu.memref_squeeze %dma_start3A_377 : memref<1x128xi32, #tpu.memory_space<vmem>> -> memref<128xi32, #tpu.memory_space<vmem>>
      %dma_start3A_379 = arith.constant 0 : i32
      %dma_start3A_380 = arith.constant 0 : i32
      %dma_start3A_381 = tpu.memref_slice %arg2[%dma_start3A_379, %dma_start3A_380] : memref<100000x64xf32, #tpu.memory_space<hbm>> -> memref<100000x64xf32, #tpu.memory_space<hbm>>
      tpu.enqueue_indirect_dma source(%dma_start3A_381 : memref<100000x64xf32, #tpu.memory_space<hbm>>) target(%dma_start3A_376 : memref<128x64xf32, #tpu.memory_space<vmem>>) offsets(%dma_start3A_378 : memref<128xi32, #tpu.memory_space<vmem>>) semaphore(%arg10 : memref<!tpu.dma_semaphore, #tpu.memory_space<semaphore_mem>>)
      %mul3A_382 = arith.constant 8 : i32
      %mul3A_383 = arith.muli %scan3A_151, %mul3A_382 : i32
      %add3A_384 = arith.constant 4 : i32
      %add3A_385 = arith.addi %mul3A_383, %add3A_384 : i32
      %jit3A_386 = arith.constant 4 : i32
      %div3A_387 = arith.divsi %add3A_385, %jit3A_386 : i32
      %sign3A_388 = arith.constant 0 : i32
      %sign3A_389 = arith.cmpi sgt, %add3A_385, %sign3A_388 : i32
      %sign3A_390 = arith.extui %sign3A_389 : i1 to i32
      %sign3A_391 = arith.constant 0 : i32
      %sign3A_392 = arith.cmpi slt, %add3A_385, %sign3A_391 : i32
      %sign3A_393 = arith.extui %sign3A_392 : i1 to i32
      %sign3A_394 = arith.subi %sign3A_390, %sign3A_393 : i32
      %sign3A_395 = arith.constant 0 : i32
      %sign3A_396 = arith.cmpi sgt, %jit3A_386, %sign3A_395 : i32
      %sign3A_397 = arith.extui %sign3A_396 : i1 to i32
      %sign3A_398 = arith.constant 0 : i32
      %sign3A_399 = arith.cmpi slt, %jit3A_386, %sign3A_398 : i32
      %sign3A_400 = arith.extui %sign3A_399 : i1 to i32
      %sign3A_401 = arith.subi %sign3A_397, %sign3A_400 : i32
      %ne3A_402 = arith.cmpi ne, %sign3A_394, %sign3A_401 : i32
      %rem3A_403 = arith.remsi %add3A_385, %jit3A_386 : i32
      %ne3A_404 = arith.constant 0 : i32
      %ne3A_405 = arith.cmpi ne, %rem3A_403, %ne3A_404 : i32
      %and3A_406 = arith.andi %ne3A_402, %ne3A_405 : i1
      %sub3A_407 = arith.constant 1 : i32
      %sub3A_408 = arith.subi %div3A_387, %sub3A_407 : i32
      %select_n3A_409 = arith.select %and3A_406, %sub3A_408, %div3A_387 : i32
      %jit3A_410 = arith.constant 4 : i32
      %eq3A_411 = arith.constant 0 : i32
      %eq3A_412 = arith.cmpi eq, %jit3A_410, %eq3A_411 : i32
      %jit3A_413 = arith.constant 1 : i32
      %select_n3A_414 = arith.select %eq3A_412, %jit3A_413, %jit3A_410 : i32
      %rem3A_415 = arith.remsi %add3A_385, %select_n3A_414 : i32
      %ne3A_416 = arith.constant 0 : i32
      %ne3A_417 = arith.cmpi ne, %rem3A_415, %ne3A_416 : i32
      %lt3A_418 = arith.constant 0 : i32
      %lt3A_419 = arith.cmpi slt, %rem3A_415, %lt3A_418 : i32
      %lt3A_420 = arith.constant 0 : i32
      %lt3A_421 = arith.cmpi slt, %select_n3A_414, %lt3A_420 : i32
      %ne3A_422 = arith.xori %lt3A_419, %lt3A_421 : i1
      %and3A_423 = arith.andi %ne3A_422, %ne3A_417 : i1
      %add3A_424 = arith.addi %rem3A_415, %select_n3A_414 : i32
      %select_n3A_425 = arith.select %and3A_423, %add3A_424, %rem3A_415 : i32
      %gt3A_426 = arith.constant 0 : i32
      %gt3A_427 = arith.cmpi sgt, %scan3A_151, %gt3A_426 : i32
      %convert_element_type3A_428 = arith.extui %gt3A_427 : i1 to i32
      %cond3A_429 = arith.constant 0 : i32
      %cond3A_430 = arith.cmpi ne, %convert_element_type3A_428, %cond3A_429 : i32
      scf.if %cond3A_430 {
        %dma_wait3A_1242 = arith.constant 4 : i32
        %dma_wait3A_1243 = arith.constant 0 : i32
        %dma_wait3A_1244 = arith.constant 0 : i32
        %dma_wait3A_1245 = arith.constant 0 : i32
        %dma_wait3A_1246 = tpu.memref_slice %arg6[%dma_wait3A_1242, %dma_wait3A_1244, %dma_wait3A_1245] : memref<8x128x64xf32, #tpu.memory_space<vmem>> -> memref<1x128x64xf32, #tpu.memory_space<vmem>>
        %dma_wait3A_1247 = tpu.memref_squeeze %dma_wait3A_1246 : memref<1x128x64xf32, #tpu.memory_space<vmem>> -> memref<128x64xf32, #tpu.memory_space<vmem>>
        %dma_wait3A_1248 = arith.constant 0 : i32
        %dma_wait3A_1249 = arith.constant 0 : i32
        %dma_wait3A_1250 = tpu.memref_slice %arg4[%dma_wait3A_1248, %dma_wait3A_1243, %dma_wait3A_1249] : memref<16384x50x64xf32, #tpu.memory_space<hbm>> -> memref<128x1x64xf32, #tpu.memory_space<hbm>>
        %dma_wait3A_1251 = tpu.memref_squeeze %dma_wait3A_1250 : memref<128x1x64xf32, #tpu.memory_space<hbm>> -> memref<128x64xf32, #tpu.memory_space<hbm>>
        %dma_wait3A_1252 = arith.constant 0 : i32
        %dma_wait3A_1253 = arith.constant 0 : i32
        %dma_wait3A_1254 = tpu.memref_slice %arg4[%dma_wait3A_1252, %dma_wait3A_1243, %dma_wait3A_1253] : memref<16384x50x64xf32, #tpu.memory_space<hbm>> -> memref<128x1x64xf32, #tpu.memory_space<hbm>>
        %dma_wait3A_1255 = tpu.memref_squeeze %dma_wait3A_1254 : memref<128x1x64xf32, #tpu.memory_space<hbm>> -> memref<128x64xf32, #tpu.memory_space<hbm>>
        %dma_wait3A_1256 = arith.constant 0 : i32
        %dma_wait3A_1257 = arith.constant 0 : i32
        %dma_wait3A_1258 = tpu.memref_slice %arg6[%dma_wait3A_1242, %dma_wait3A_1256, %dma_wait3A_1257] : memref<8x128x64xf32, #tpu.memory_space<vmem>> -> memref<1x128x64xf32, #tpu.memory_space<vmem>>
        %dma_wait3A_1259 = tpu.memref_squeeze %dma_wait3A_1258 : memref<1x128x64xf32, #tpu.memory_space<vmem>> -> memref<128x64xf32, #tpu.memory_space<vmem>>
        tpu.wait_dma2 semaphore(%arg19 : memref<!tpu.dma_semaphore, #tpu.memory_space<semaphore_mem>>) src(%dma_wait3A_1259 : memref<128x64xf32, #tpu.memory_space<vmem>>) dst(%dma_wait3A_1255 : memref<128x64xf32, #tpu.memory_space<hbm>>)
      } else {
      }
      %mul3A_431 = arith.constant 128 : i32
      %mul3A_432 = arith.muli %select_n3A_425, %mul3A_431 : i32
      %dma_start3A_433 = arith.constant 4 : i32
      %dma_start3A_434 = arith.constant 0 : i32
      %dma_start3A_435 = arith.constant 0 : i32
      %dma_start3A_436 = tpu.memref_slice %arg6[%dma_start3A_433, %dma_start3A_434, %dma_start3A_435] : memref<8x128x64xf32, #tpu.memory_space<vmem>> -> memref<1x128x64xf32, #tpu.memory_space<vmem>>
      %dma_start3A_437 = tpu.memref_squeeze %dma_start3A_436 : memref<1x128x64xf32, #tpu.memory_space<vmem>> -> memref<128x64xf32, #tpu.memory_space<vmem>>
      %dma_start3A_438 = tpu.memref_slice %arg5[%select_n3A_409, %mul3A_432] : memref<50x512xi32, #tpu.memory_space<vmem>> -> memref<1x128xi32, #tpu.memory_space<vmem>>
      %dma_start3A_439 = tpu.memref_squeeze %dma_start3A_438 : memref<1x128xi32, #tpu.memory_space<vmem>> -> memref<128xi32, #tpu.memory_space<vmem>>
      %dma_start3A_440 = arith.constant 0 : i32
      %dma_start3A_441 = arith.constant 0 : i32
      %dma_start3A_442 = tpu.memref_slice %arg2[%dma_start3A_440, %dma_start3A_441] : memref<100000x64xf32, #tpu.memory_space<hbm>> -> memref<100000x64xf32, #tpu.memory_space<hbm>>
      tpu.enqueue_indirect_dma source(%dma_start3A_442 : memref<100000x64xf32, #tpu.memory_space<hbm>>) target(%dma_start3A_437 : memref<128x64xf32, #tpu.memory_space<vmem>>) offsets(%dma_start3A_439 : memref<128xi32, #tpu.memory_space<vmem>>) semaphore(%arg11 : memref<!tpu.dma_semaphore, #tpu.memory_space<semaphore_mem>>)
      %mul3A_443 = arith.constant 8 : i32
      %mul3A_444 = arith.muli %scan3A_151, %mul3A_443 : i32
      %add3A_445 = arith.constant 5 : i32
      %add3A_446 = arith.addi %mul3A_444, %add3A_445 : i32
      %jit3A_447 = arith.constant 4 : i32
      %div3A_448 = arith.divsi %add3A_446, %jit3A_447 : i32
      %sign3A_449 = arith.constant 0 : i32
      %sign3A_450 = arith.cmpi sgt, %add3A_446, %sign3A_449 : i32
      %sign3A_451 = arith.extui %sign3A_450 : i1 to i32
      %sign3A_452 = arith.constant 0 : i32
      %sign3A_453 = arith.cmpi slt, %add3A_446, %sign3A_452 : i32
      %sign3A_454 = arith.extui %sign3A_453 : i1 to i32
      %sign3A_455 = arith.subi %sign3A_451, %sign3A_454 : i32
      %sign3A_456 = arith.constant 0 : i32
      %sign3A_457 = arith.cmpi sgt, %jit3A_447, %sign3A_456 : i32
      %sign3A_458 = arith.extui %sign3A_457 : i1 to i32
      %sign3A_459 = arith.constant 0 : i32
      %sign3A_460 = arith.cmpi slt, %jit3A_447, %sign3A_459 : i32
      %sign3A_461 = arith.extui %sign3A_460 : i1 to i32
      %sign3A_462 = arith.subi %sign3A_458, %sign3A_461 : i32
      %ne3A_463 = arith.cmpi ne, %sign3A_455, %sign3A_462 : i32
      %rem3A_464 = arith.remsi %add3A_446, %jit3A_447 : i32
      %ne3A_465 = arith.constant 0 : i32
      %ne3A_466 = arith.cmpi ne, %rem3A_464, %ne3A_465 : i32
      %and3A_467 = arith.andi %ne3A_463, %ne3A_466 : i1
      %sub3A_468 = arith.constant 1 : i32
      %sub3A_469 = arith.subi %div3A_448, %sub3A_468 : i32
      %select_n3A_470 = arith.select %and3A_467, %sub3A_469, %div3A_448 : i32
      %jit3A_471 = arith.constant 4 : i32
      %eq3A_472 = arith.constant 0 : i32
      %eq3A_473 = arith.cmpi eq, %jit3A_471, %eq3A_472 : i32
      %jit3A_474 = arith.constant 1 : i32
      %select_n3A_475 = arith.select %eq3A_473, %jit3A_474, %jit3A_471 : i32
      %rem3A_476 = arith.remsi %add3A_446, %select_n3A_475 : i32
      %ne3A_477 = arith.constant 0 : i32
      %ne3A_478 = arith.cmpi ne, %rem3A_476, %ne3A_477 : i32
      %lt3A_479 = arith.constant 0 : i32
      %lt3A_480 = arith.cmpi slt, %rem3A_476, %lt3A_479 : i32
      %lt3A_481 = arith.constant 0 : i32
      %lt3A_482 = arith.cmpi slt, %select_n3A_475, %lt3A_481 : i32
      %ne3A_483 = arith.xori %lt3A_480, %lt3A_482 : i1
      %and3A_484 = arith.andi %ne3A_483, %ne3A_478 : i1
      %add3A_485 = arith.addi %rem3A_476, %select_n3A_475 : i32
      %select_n3A_486 = arith.select %and3A_484, %add3A_485, %rem3A_476 : i32
      %gt3A_487 = arith.constant 0 : i32
      %gt3A_488 = arith.cmpi sgt, %scan3A_151, %gt3A_487 : i32
      %convert_element_type3A_489 = arith.extui %gt3A_488 : i1 to i32
      %cond3A_490 = arith.constant 0 : i32
      %cond3A_491 = arith.cmpi ne, %convert_element_type3A_489, %cond3A_490 : i32
      scf.if %cond3A_491 {
        %dma_wait3A_1242 = arith.constant 5 : i32
        %dma_wait3A_1243 = arith.constant 0 : i32
        %dma_wait3A_1244 = arith.constant 0 : i32
        %dma_wait3A_1245 = arith.constant 0 : i32
        %dma_wait3A_1246 = tpu.memref_slice %arg6[%dma_wait3A_1242, %dma_wait3A_1244, %dma_wait3A_1245] : memref<8x128x64xf32, #tpu.memory_space<vmem>> -> memref<1x128x64xf32, #tpu.memory_space<vmem>>
        %dma_wait3A_1247 = tpu.memref_squeeze %dma_wait3A_1246 : memref<1x128x64xf32, #tpu.memory_space<vmem>> -> memref<128x64xf32, #tpu.memory_space<vmem>>
        %dma_wait3A_1248 = arith.constant 0 : i32
        %dma_wait3A_1249 = arith.constant 0 : i32
        %dma_wait3A_1250 = tpu.memref_slice %arg4[%dma_wait3A_1248, %dma_wait3A_1243, %dma_wait3A_1249] : memref<16384x50x64xf32, #tpu.memory_space<hbm>> -> memref<128x1x64xf32, #tpu.memory_space<hbm>>
        %dma_wait3A_1251 = tpu.memref_squeeze %dma_wait3A_1250 : memref<128x1x64xf32, #tpu.memory_space<hbm>> -> memref<128x64xf32, #tpu.memory_space<hbm>>
        %dma_wait3A_1252 = arith.constant 0 : i32
        %dma_wait3A_1253 = arith.constant 0 : i32
        %dma_wait3A_1254 = tpu.memref_slice %arg4[%dma_wait3A_1252, %dma_wait3A_1243, %dma_wait3A_1253] : memref<16384x50x64xf32, #tpu.memory_space<hbm>> -> memref<128x1x64xf32, #tpu.memory_space<hbm>>
        %dma_wait3A_1255 = tpu.memref_squeeze %dma_wait3A_1254 : memref<128x1x64xf32, #tpu.memory_space<hbm>> -> memref<128x64xf32, #tpu.memory_space<hbm>>
        %dma_wait3A_1256 = arith.constant 0 : i32
        %dma_wait3A_1257 = arith.constant 0 : i32
        %dma_wait3A_1258 = tpu.memref_slice %arg6[%dma_wait3A_1242, %dma_wait3A_1256, %dma_wait3A_1257] : memref<8x128x64xf32, #tpu.memory_space<vmem>> -> memref<1x128x64xf32, #tpu.memory_space<vmem>>
        %dma_wait3A_1259 = tpu.memref_squeeze %dma_wait3A_1258 : memref<1x128x64xf32, #tpu.memory_space<vmem>> -> memref<128x64xf32, #tpu.memory_space<vmem>>
        tpu.wait_dma2 semaphore(%arg20 : memref<!tpu.dma_semaphore, #tpu.memory_space<semaphore_mem>>) src(%dma_wait3A_1259 : memref<128x64xf32, #tpu.memory_space<vmem>>) dst(%dma_wait3A_1255 : memref<128x64xf32, #tpu.memory_space<hbm>>)
      } else {
      }
      %mul3A_492 = arith.constant 128 : i32
      %mul3A_493 = arith.muli %select_n3A_486, %mul3A_492 : i32
      %dma_start3A_494 = arith.constant 5 : i32
      %dma_start3A_495 = arith.constant 0 : i32
      %dma_start3A_496 = arith.constant 0 : i32
      %dma_start3A_497 = tpu.memref_slice %arg6[%dma_start3A_494, %dma_start3A_495, %dma_start3A_496] : memref<8x128x64xf32, #tpu.memory_space<vmem>> -> memref<1x128x64xf32, #tpu.memory_space<vmem>>
      %dma_start3A_498 = tpu.memref_squeeze %dma_start3A_497 : memref<1x128x64xf32, #tpu.memory_space<vmem>> -> memref<128x64xf32, #tpu.memory_space<vmem>>
      %dma_start3A_499 = tpu.memref_slice %arg5[%select_n3A_470, %mul3A_493] : memref<50x512xi32, #tpu.memory_space<vmem>> -> memref<1x128xi32, #tpu.memory_space<vmem>>
      %dma_start3A_500 = tpu.memref_squeeze %dma_start3A_499 : memref<1x128xi32, #tpu.memory_space<vmem>> -> memref<128xi32, #tpu.memory_space<vmem>>
      %dma_start3A_501 = arith.constant 0 : i32
      %dma_start3A_502 = arith.constant 0 : i32
      %dma_start3A_503 = tpu.memref_slice %arg2[%dma_start3A_501, %dma_start3A_502] : memref<100000x64xf32, #tpu.memory_space<hbm>> -> memref<100000x64xf32, #tpu.memory_space<hbm>>
      tpu.enqueue_indirect_dma source(%dma_start3A_503 : memref<100000x64xf32, #tpu.memory_space<hbm>>) target(%dma_start3A_498 : memref<128x64xf32, #tpu.memory_space<vmem>>) offsets(%dma_start3A_500 : memref<128xi32, #tpu.memory_space<vmem>>) semaphore(%arg12 : memref<!tpu.dma_semaphore, #tpu.memory_space<semaphore_mem>>)
      %mul3A_504 = arith.constant 8 : i32
      %mul3A_505 = arith.muli %scan3A_151, %mul3A_504 : i32
      %add3A_506 = arith.constant 6 : i32
      %add3A_507 = arith.addi %mul3A_505, %add3A_506 : i32
      %jit3A_508 = arith.constant 4 : i32
      %div3A_509 = arith.divsi %add3A_507, %jit3A_508 : i32
      %sign3A_510 = arith.constant 0 : i32
      %sign3A_511 = arith.cmpi sgt, %add3A_507, %sign3A_510 : i32
      %sign3A_512 = arith.extui %sign3A_511 : i1 to i32
      %sign3A_513 = arith.constant 0 : i32
      %sign3A_514 = arith.cmpi slt, %add3A_507, %sign3A_513 : i32
      %sign3A_515 = arith.extui %sign3A_514 : i1 to i32
      %sign3A_516 = arith.subi %sign3A_512, %sign3A_515 : i32
      %sign3A_517 = arith.constant 0 : i32
      %sign3A_518 = arith.cmpi sgt, %jit3A_508, %sign3A_517 : i32
      %sign3A_519 = arith.extui %sign3A_518 : i1 to i32
      %sign3A_520 = arith.constant 0 : i32
      %sign3A_521 = arith.cmpi slt, %jit3A_508, %sign3A_520 : i32
      %sign3A_522 = arith.extui %sign3A_521 : i1 to i32
      %sign3A_523 = arith.subi %sign3A_519, %sign3A_522 : i32
      %ne3A_524 = arith.cmpi ne, %sign3A_516, %sign3A_523 : i32
      %rem3A_525 = arith.remsi %add3A_507, %jit3A_508 : i32
      %ne3A_526 = arith.constant 0 : i32
      %ne3A_527 = arith.cmpi ne, %rem3A_525, %ne3A_526 : i32
      %and3A_528 = arith.andi %ne3A_524, %ne3A_527 : i1
      %sub3A_529 = arith.constant 1 : i32
      %sub3A_530 = arith.subi %div3A_509, %sub3A_529 : i32
      %select_n3A_531 = arith.select %and3A_528, %sub3A_530, %div3A_509 : i32
      %jit3A_532 = arith.constant 4 : i32
      %eq3A_533 = arith.constant 0 : i32
      %eq3A_534 = arith.cmpi eq, %jit3A_532, %eq3A_533 : i32
      %jit3A_535 = arith.constant 1 : i32
      %select_n3A_536 = arith.select %eq3A_534, %jit3A_535, %jit3A_532 : i32
      %rem3A_537 = arith.remsi %add3A_507, %select_n3A_536 : i32
      %ne3A_538 = arith.constant 0 : i32
      %ne3A_539 = arith.cmpi ne, %rem3A_537, %ne3A_538 : i32
      %lt3A_540 = arith.constant 0 : i32
      %lt3A_541 = arith.cmpi slt, %rem3A_537, %lt3A_540 : i32
      %lt3A_542 = arith.constant 0 : i32
      %lt3A_543 = arith.cmpi slt, %select_n3A_536, %lt3A_542 : i32
      %ne3A_544 = arith.xori %lt3A_541, %lt3A_543 : i1
      %and3A_545 = arith.andi %ne3A_544, %ne3A_539 : i1
      %add3A_546 = arith.addi %rem3A_537, %select_n3A_536 : i32
      %select_n3A_547 = arith.select %and3A_545, %add3A_546, %rem3A_537 : i32
      %gt3A_548 = arith.constant 0 : i32
      %gt3A_549 = arith.cmpi sgt, %scan3A_151, %gt3A_548 : i32
      %convert_element_type3A_550 = arith.extui %gt3A_549 : i1 to i32
      %cond3A_551 = arith.constant 0 : i32
      %cond3A_552 = arith.cmpi ne, %convert_element_type3A_550, %cond3A_551 : i32
      scf.if %cond3A_552 {
        %dma_wait3A_1242 = arith.constant 6 : i32
        %dma_wait3A_1243 = arith.constant 0 : i32
        %dma_wait3A_1244 = arith.constant 0 : i32
        %dma_wait3A_1245 = arith.constant 0 : i32
        %dma_wait3A_1246 = tpu.memref_slice %arg6[%dma_wait3A_1242, %dma_wait3A_1244, %dma_wait3A_1245] : memref<8x128x64xf32, #tpu.memory_space<vmem>> -> memref<1x128x64xf32, #tpu.memory_space<vmem>>
        %dma_wait3A_1247 = tpu.memref_squeeze %dma_wait3A_1246 : memref<1x128x64xf32, #tpu.memory_space<vmem>> -> memref<128x64xf32, #tpu.memory_space<vmem>>
        %dma_wait3A_1248 = arith.constant 0 : i32
        %dma_wait3A_1249 = arith.constant 0 : i32
        %dma_wait3A_1250 = tpu.memref_slice %arg4[%dma_wait3A_1248, %dma_wait3A_1243, %dma_wait3A_1249] : memref<16384x50x64xf32, #tpu.memory_space<hbm>> -> memref<128x1x64xf32, #tpu.memory_space<hbm>>
        %dma_wait3A_1251 = tpu.memref_squeeze %dma_wait3A_1250 : memref<128x1x64xf32, #tpu.memory_space<hbm>> -> memref<128x64xf32, #tpu.memory_space<hbm>>
        %dma_wait3A_1252 = arith.constant 0 : i32
        %dma_wait3A_1253 = arith.constant 0 : i32
        %dma_wait3A_1254 = tpu.memref_slice %arg4[%dma_wait3A_1252, %dma_wait3A_1243, %dma_wait3A_1253] : memref<16384x50x64xf32, #tpu.memory_space<hbm>> -> memref<128x1x64xf32, #tpu.memory_space<hbm>>
        %dma_wait3A_1255 = tpu.memref_squeeze %dma_wait3A_1254 : memref<128x1x64xf32, #tpu.memory_space<hbm>> -> memref<128x64xf32, #tpu.memory_space<hbm>>
        %dma_wait3A_1256 = arith.constant 0 : i32
        %dma_wait3A_1257 = arith.constant 0 : i32
        %dma_wait3A_1258 = tpu.memref_slice %arg6[%dma_wait3A_1242, %dma_wait3A_1256, %dma_wait3A_1257] : memref<8x128x64xf32, #tpu.memory_space<vmem>> -> memref<1x128x64xf32, #tpu.memory_space<vmem>>
        %dma_wait3A_1259 = tpu.memref_squeeze %dma_wait3A_1258 : memref<1x128x64xf32, #tpu.memory_space<vmem>> -> memref<128x64xf32, #tpu.memory_space<vmem>>
        tpu.wait_dma2 semaphore(%arg21 : memref<!tpu.dma_semaphore, #tpu.memory_space<semaphore_mem>>) src(%dma_wait3A_1259 : memref<128x64xf32, #tpu.memory_space<vmem>>) dst(%dma_wait3A_1255 : memref<128x64xf32, #tpu.memory_space<hbm>>)
      } else {
      }
      %mul3A_553 = arith.constant 128 : i32
      %mul3A_554 = arith.muli %select_n3A_547, %mul3A_553 : i32
      %dma_start3A_555 = arith.constant 6 : i32
      %dma_start3A_556 = arith.constant 0 : i32
      %dma_start3A_557 = arith.constant 0 : i32
      %dma_start3A_558 = tpu.memref_slice %arg6[%dma_start3A_555, %dma_start3A_556, %dma_start3A_557] : memref<8x128x64xf32, #tpu.memory_space<vmem>> -> memref<1x128x64xf32, #tpu.memory_space<vmem>>
      %dma_start3A_559 = tpu.memref_squeeze %dma_start3A_558 : memref<1x128x64xf32, #tpu.memory_space<vmem>> -> memref<128x64xf32, #tpu.memory_space<vmem>>
      %dma_start3A_560 = tpu.memref_slice %arg5[%select_n3A_531, %mul3A_554] : memref<50x512xi32, #tpu.memory_space<vmem>> -> memref<1x128xi32, #tpu.memory_space<vmem>>
      %dma_start3A_561 = tpu.memref_squeeze %dma_start3A_560 : memref<1x128xi32, #tpu.memory_space<vmem>> -> memref<128xi32, #tpu.memory_space<vmem>>
      %dma_start3A_562 = arith.constant 0 : i32
      %dma_start3A_563 = arith.constant 0 : i32
      %dma_start3A_564 = tpu.memref_slice %arg2[%dma_start3A_562, %dma_start3A_563] : memref<100000x64xf32, #tpu.memory_space<hbm>> -> memref<100000x64xf32, #tpu.memory_space<hbm>>
      tpu.enqueue_indirect_dma source(%dma_start3A_564 : memref<100000x64xf32, #tpu.memory_space<hbm>>) target(%dma_start3A_559 : memref<128x64xf32, #tpu.memory_space<vmem>>) offsets(%dma_start3A_561 : memref<128xi32, #tpu.memory_space<vmem>>) semaphore(%arg13 : memref<!tpu.dma_semaphore, #tpu.memory_space<semaphore_mem>>)
      %mul3A_565 = arith.constant 8 : i32
      %mul3A_566 = arith.muli %scan3A_151, %mul3A_565 : i32
      %add3A_567 = arith.constant 7 : i32
      %add3A_568 = arith.addi %mul3A_566, %add3A_567 : i32
      %jit3A_569 = arith.constant 4 : i32
      %div3A_570 = arith.divsi %add3A_568, %jit3A_569 : i32
      %sign3A_571 = arith.constant 0 : i32
      %sign3A_572 = arith.cmpi sgt, %add3A_568, %sign3A_571 : i32
      %sign3A_573 = arith.extui %sign3A_572 : i1 to i32
      %sign3A_574 = arith.constant 0 : i32
      %sign3A_575 = arith.cmpi slt, %add3A_568, %sign3A_574 : i32
      %sign3A_576 = arith.extui %sign3A_575 : i1 to i32
      %sign3A_577 = arith.subi %sign3A_573, %sign3A_576 : i32
      %sign3A_578 = arith.constant 0 : i32
      %sign3A_579 = arith.cmpi sgt, %jit3A_569, %sign3A_578 : i32
      %sign3A_580 = arith.extui %sign3A_579 : i1 to i32
      %sign3A_581 = arith.constant 0 : i32
      %sign3A_582 = arith.cmpi slt, %jit3A_569, %sign3A_581 : i32
      %sign3A_583 = arith.extui %sign3A_582 : i1 to i32
      %sign3A_584 = arith.subi %sign3A_580, %sign3A_583 : i32
      %ne3A_585 = arith.cmpi ne, %sign3A_577, %sign3A_584 : i32
      %rem3A_586 = arith.remsi %add3A_568, %jit3A_569 : i32
      %ne3A_587 = arith.constant 0 : i32
      %ne3A_588 = arith.cmpi ne, %rem3A_586, %ne3A_587 : i32
      %and3A_589 = arith.andi %ne3A_585, %ne3A_588 : i1
      %sub3A_590 = arith.constant 1 : i32
      %sub3A_591 = arith.subi %div3A_570, %sub3A_590 : i32
      %select_n3A_592 = arith.select %and3A_589, %sub3A_591, %div3A_570 : i32
      %jit3A_593 = arith.constant 4 : i32
      %eq3A_594 = arith.constant 0 : i32
      %eq3A_595 = arith.cmpi eq, %jit3A_593, %eq3A_594 : i32
      %jit3A_596 = arith.constant 1 : i32
      %select_n3A_597 = arith.select %eq3A_595, %jit3A_596, %jit3A_593 : i32
      %rem3A_598 = arith.remsi %add3A_568, %select_n3A_597 : i32
      %ne3A_599 = arith.constant 0 : i32
      %ne3A_600 = arith.cmpi ne, %rem3A_598, %ne3A_599 : i32
      %lt3A_601 = arith.constant 0 : i32
      %lt3A_602 = arith.cmpi slt, %rem3A_598, %lt3A_601 : i32
      %lt3A_603 = arith.constant 0 : i32
      %lt3A_604 = arith.cmpi slt, %select_n3A_597, %lt3A_603 : i32
      %ne3A_605 = arith.xori %lt3A_602, %lt3A_604 : i1
      %and3A_606 = arith.andi %ne3A_605, %ne3A_600 : i1
      %add3A_607 = arith.addi %rem3A_598, %select_n3A_597 : i32
      %select_n3A_608 = arith.select %and3A_606, %add3A_607, %rem3A_598 : i32
      %gt3A_609 = arith.constant 0 : i32
      %gt3A_610 = arith.cmpi sgt, %scan3A_151, %gt3A_609 : i32
      %convert_element_type3A_611 = arith.extui %gt3A_610 : i1 to i32
      %cond3A_612 = arith.constant 0 : i32
      %cond3A_613 = arith.cmpi ne, %convert_element_type3A_611, %cond3A_612 : i32
      scf.if %cond3A_613 {
        %dma_wait3A_1242 = arith.constant 7 : i32
        %dma_wait3A_1243 = arith.constant 0 : i32
        %dma_wait3A_1244 = arith.constant 0 : i32
        %dma_wait3A_1245 = arith.constant 0 : i32
        %dma_wait3A_1246 = tpu.memref_slice %arg6[%dma_wait3A_1242, %dma_wait3A_1244, %dma_wait3A_1245] : memref<8x128x64xf32, #tpu.memory_space<vmem>> -> memref<1x128x64xf32, #tpu.memory_space<vmem>>
        %dma_wait3A_1247 = tpu.memref_squeeze %dma_wait3A_1246 : memref<1x128x64xf32, #tpu.memory_space<vmem>> -> memref<128x64xf32, #tpu.memory_space<vmem>>
        %dma_wait3A_1248 = arith.constant 0 : i32
        %dma_wait3A_1249 = arith.constant 0 : i32
        %dma_wait3A_1250 = tpu.memref_slice %arg4[%dma_wait3A_1248, %dma_wait3A_1243, %dma_wait3A_1249] : memref<16384x50x64xf32, #tpu.memory_space<hbm>> -> memref<128x1x64xf32, #tpu.memory_space<hbm>>
        %dma_wait3A_1251 = tpu.memref_squeeze %dma_wait3A_1250 : memref<128x1x64xf32, #tpu.memory_space<hbm>> -> memref<128x64xf32, #tpu.memory_space<hbm>>
        %dma_wait3A_1252 = arith.constant 0 : i32
        %dma_wait3A_1253 = arith.constant 0 : i32
        %dma_wait3A_1254 = tpu.memref_slice %arg4[%dma_wait3A_1252, %dma_wait3A_1243, %dma_wait3A_1253] : memref<16384x50x64xf32, #tpu.memory_space<hbm>> -> memref<128x1x64xf32, #tpu.memory_space<hbm>>
        %dma_wait3A_1255 = tpu.memref_squeeze %dma_wait3A_1254 : memref<128x1x64xf32, #tpu.memory_space<hbm>> -> memref<128x64xf32, #tpu.memory_space<hbm>>
        %dma_wait3A_1256 = arith.constant 0 : i32
        %dma_wait3A_1257 = arith.constant 0 : i32
        %dma_wait3A_1258 = tpu.memref_slice %arg6[%dma_wait3A_1242, %dma_wait3A_1256, %dma_wait3A_1257] : memref<8x128x64xf32, #tpu.memory_space<vmem>> -> memref<1x128x64xf32, #tpu.memory_space<vmem>>
        %dma_wait3A_1259 = tpu.memref_squeeze %dma_wait3A_1258 : memref<1x128x64xf32, #tpu.memory_space<vmem>> -> memref<128x64xf32, #tpu.memory_space<vmem>>
        tpu.wait_dma2 semaphore(%arg22 : memref<!tpu.dma_semaphore, #tpu.memory_space<semaphore_mem>>) src(%dma_wait3A_1259 : memref<128x64xf32, #tpu.memory_space<vmem>>) dst(%dma_wait3A_1255 : memref<128x64xf32, #tpu.memory_space<hbm>>)
      } else {
      }
      %mul3A_614 = arith.constant 128 : i32
      %mul3A_615 = arith.muli %select_n3A_608, %mul3A_614 : i32
      %dma_start3A_616 = arith.constant 7 : i32
      %dma_start3A_617 = arith.constant 0 : i32
      %dma_start3A_618 = arith.constant 0 : i32
      %dma_start3A_619 = tpu.memref_slice %arg6[%dma_start3A_616, %dma_start3A_617, %dma_start3A_618] : memref<8x128x64xf32, #tpu.memory_space<vmem>> -> memref<1x128x64xf32, #tpu.memory_space<vmem>>
      %dma_start3A_620 = tpu.memref_squeeze %dma_start3A_619 : memref<1x128x64xf32, #tpu.memory_space<vmem>> -> memref<128x64xf32, #tpu.memory_space<vmem>>
      %dma_start3A_621 = tpu.memref_slice %arg5[%select_n3A_592, %mul3A_615] : memref<50x512xi32, #tpu.memory_space<vmem>> -> memref<1x128xi32, #tpu.memory_space<vmem>>
      %dma_start3A_622 = tpu.memref_squeeze %dma_start3A_621 : memref<1x128xi32, #tpu.memory_space<vmem>> -> memref<128xi32, #tpu.memory_space<vmem>>
      %dma_start3A_623 = arith.constant 0 : i32
      %dma_start3A_624 = arith.constant 0 : i32
      %dma_start3A_625 = tpu.memref_slice %arg2[%dma_start3A_623, %dma_start3A_624] : memref<100000x64xf32, #tpu.memory_space<hbm>> -> memref<100000x64xf32, #tpu.memory_space<hbm>>
      tpu.enqueue_indirect_dma source(%dma_start3A_625 : memref<100000x64xf32, #tpu.memory_space<hbm>>) target(%dma_start3A_620 : memref<128x64xf32, #tpu.memory_space<vmem>>) offsets(%dma_start3A_622 : memref<128xi32, #tpu.memory_space<vmem>>) semaphore(%arg14 : memref<!tpu.dma_semaphore, #tpu.memory_space<semaphore_mem>>)
      %mul3A_626 = arith.constant 8 : i32
      %mul3A_627 = arith.muli %scan3A_151, %mul3A_626 : i32
      %add3A_628 = arith.constant 0 : i32
      %add3A_629 = arith.addi %mul3A_627, %add3A_628 : i32
      %jit3A_630 = arith.constant 4 : i32
      %div3A_631 = arith.divsi %add3A_629, %jit3A_630 : i32
      %sign3A_632 = arith.constant 0 : i32
      %sign3A_633 = arith.cmpi sgt, %add3A_629, %sign3A_632 : i32
      %sign3A_634 = arith.extui %sign3A_633 : i1 to i32
      %sign3A_635 = arith.constant 0 : i32
      %sign3A_636 = arith.cmpi slt, %add3A_629, %sign3A_635 : i32
      %sign3A_637 = arith.extui %sign3A_636 : i1 to i32
      %sign3A_638 = arith.subi %sign3A_634, %sign3A_637 : i32
      %sign3A_639 = arith.constant 0 : i32
      %sign3A_640 = arith.cmpi sgt, %jit3A_630, %sign3A_639 : i32
      %sign3A_641 = arith.extui %sign3A_640 : i1 to i32
      %sign3A_642 = arith.constant 0 : i32
      %sign3A_643 = arith.cmpi slt, %jit3A_630, %sign3A_642 : i32
      %sign3A_644 = arith.extui %sign3A_643 : i1 to i32
      %sign3A_645 = arith.subi %sign3A_641, %sign3A_644 : i32
      %ne3A_646 = arith.cmpi ne, %sign3A_638, %sign3A_645 : i32
      %rem3A_647 = arith.remsi %add3A_629, %jit3A_630 : i32
      %ne3A_648 = arith.constant 0 : i32
      %ne3A_649 = arith.cmpi ne, %rem3A_647, %ne3A_648 : i32
      %and3A_650 = arith.andi %ne3A_646, %ne3A_649 : i1
      %sub3A_651 = arith.constant 1 : i32
      %sub3A_652 = arith.subi %div3A_631, %sub3A_651 : i32
      %select_n3A_653 = arith.select %and3A_650, %sub3A_652, %div3A_631 : i32
      %jit3A_654 = arith.constant 4 : i32
      %eq3A_655 = arith.constant 0 : i32
      %eq3A_656 = arith.cmpi eq, %jit3A_654, %eq3A_655 : i32
      %jit3A_657 = arith.constant 1 : i32
      %select_n3A_658 = arith.select %eq3A_656, %jit3A_657, %jit3A_654 : i32
      %rem3A_659 = arith.remsi %add3A_629, %select_n3A_658 : i32
      %ne3A_660 = arith.constant 0 : i32
      %ne3A_661 = arith.cmpi ne, %rem3A_659, %ne3A_660 : i32
      %lt3A_662 = arith.constant 0 : i32
      %lt3A_663 = arith.cmpi slt, %rem3A_659, %lt3A_662 : i32
      %lt3A_664 = arith.constant 0 : i32
      %lt3A_665 = arith.cmpi slt, %select_n3A_658, %lt3A_664 : i32
      %ne3A_666 = arith.xori %lt3A_663, %lt3A_665 : i1
      %and3A_667 = arith.andi %ne3A_666, %ne3A_661 : i1
      %add3A_668 = arith.addi %rem3A_659, %select_n3A_658 : i32
      %select_n3A_669 = arith.select %and3A_667, %add3A_668, %rem3A_659 : i32
      %dma_wait3A_670 = arith.constant 0 : i32
      %dma_wait3A_671 = arith.constant 0 : i32
      %dma_wait3A_672 = arith.constant 0 : i32
      %dma_wait3A_673 = tpu.memref_slice %arg6[%dma_wait3A_670, %dma_wait3A_671, %dma_wait3A_672] : memref<8x128x64xf32, #tpu.memory_space<vmem>> -> memref<1x128x64xf32, #tpu.memory_space<vmem>>
      %dma_wait3A_674 = tpu.memref_squeeze %dma_wait3A_673 : memref<1x128x64xf32, #tpu.memory_space<vmem>> -> memref<128x64xf32, #tpu.memory_space<vmem>>
      %dma_wait3A_675 = arith.constant 0 : i32
      %dma_wait3A_676 = arith.constant 0 : i32
      %dma_wait3A_677 = tpu.memref_slice %arg2[%dma_wait3A_675, %dma_wait3A_676] : memref<100000x64xf32, #tpu.memory_space<hbm>> -> memref<128x64xf32, #tpu.memory_space<hbm>>
      %dma_wait3A_678 = arith.constant 0 : i32
      %dma_wait3A_679 = arith.constant 0 : i32
      %dma_wait3A_680 = tpu.memref_slice %arg6[%dma_wait3A_670, %dma_wait3A_678, %dma_wait3A_679] : memref<8x128x64xf32, #tpu.memory_space<vmem>> -> memref<1x128x64xf32, #tpu.memory_space<vmem>>
      %dma_wait3A_681 = tpu.memref_squeeze %dma_wait3A_680 : memref<1x128x64xf32, #tpu.memory_space<vmem>> -> memref<128x64xf32, #tpu.memory_space<vmem>>
      %dma_wait3A_682 = arith.constant 0 : i32
      %dma_wait3A_683 = arith.constant 0 : i32
      %dma_wait3A_684 = tpu.memref_slice %arg2[%dma_wait3A_682, %dma_wait3A_683] : memref<100000x64xf32, #tpu.memory_space<hbm>> -> memref<128x64xf32, #tpu.memory_space<hbm>>
      tpu.wait_dma2 semaphore(%arg7 : memref<!tpu.dma_semaphore, #tpu.memory_space<semaphore_mem>>) src(%dma_wait3A_684 : memref<128x64xf32, #tpu.memory_space<hbm>>) dst(%dma_wait3A_681 : memref<128x64xf32, #tpu.memory_space<vmem>>)
      %mul3A_685 = arith.constant 128 : i32
      %mul3A_686 = arith.muli %select_n3A_669, %mul3A_685 : i32
      %add3A_687 = arith.addi %mul3A_2, %mul3A_686 : i32
      %dma_start3A_688 = arith.constant 0 : i32
      %dma_start3A_689 = arith.constant 0 : i32
      %dma_start3A_690 = arith.constant 0 : i32
      %dma_start3A_691 = tpu.memref_slice %arg6[%dma_start3A_688, %dma_start3A_689, %dma_start3A_690] : memref<8x128x64xf32, #tpu.memory_space<vmem>> -> memref<1x128x64xf32, #tpu.memory_space<vmem>>
      %dma_start3A_692 = tpu.memref_squeeze %dma_start3A_691 : memref<1x128x64xf32, #tpu.memory_space<vmem>> -> memref<128x64xf32, #tpu.memory_space<vmem>>
      %dma_start3A_693 = arith.constant 0 : i32
      %dma_start3A_694 = tpu.memref_slice %arg4[%add3A_687, %select_n3A_653, %dma_start3A_693] : memref<16384x50x64xf32, #tpu.memory_space<hbm>> -> memref<128x1x64xf32, #tpu.memory_space<hbm>>
      %dma_start3A_695 = tpu.memref_squeeze %dma_start3A_694 : memref<128x1x64xf32, #tpu.memory_space<hbm>> -> memref<128x64xf32, #tpu.memory_space<hbm>>
      %dma_start3A_696 = arith.constant 0 : i32
      %dma_start3A_697 = tpu.memref_slice %arg4[%add3A_687, %select_n3A_653, %dma_start3A_696] : memref<16384x50x64xf32, #tpu.memory_space<hbm>> -> memref<128x1x64xf32, #tpu.memory_space<hbm>>
      %dma_start3A_698 = tpu.memref_squeeze %dma_start3A_697 : memref<128x1x64xf32, #tpu.memory_space<hbm>> -> memref<128x64xf32, #tpu.memory_space<hbm>>
      %dma_start3A_699 = arith.constant 0 : i32
      %dma_start3A_700 = arith.constant 0 : i32
      %dma_start3A_701 = tpu.memref_slice %arg6[%dma_start3A_688, %dma_start3A_699, %dma_start3A_700] : memref<8x128x64xf32, #tpu.memory_space<vmem>> -> memref<1x128x64xf32, #tpu.memory_space<vmem>>
      %dma_start3A_702 = tpu.memref_squeeze %dma_start3A_701 : memref<1x128x64xf32, #tpu.memory_space<vmem>> -> memref<128x64xf32, #tpu.memory_space<vmem>>
      tpu.enqueue_dma source(%dma_start3A_702 : memref<128x64xf32, #tpu.memory_space<vmem>>) target(%dma_start3A_698 : memref<128x64xf32, #tpu.memory_space<hbm>>) target_semaphore(%arg15 : memref<!tpu.dma_semaphore, #tpu.memory_space<semaphore_mem>>)
      %mul3A_703 = arith.constant 8 : i32
      %mul3A_704 = arith.muli %scan3A_151, %mul3A_703 : i32
      %add3A_705 = arith.constant 1 : i32
      %add3A_706 = arith.addi %mul3A_704, %add3A_705 : i32
      %jit3A_707 = arith.constant 4 : i32
      %div3A_708 = arith.divsi %add3A_706, %jit3A_707 : i32
      %sign3A_709 = arith.constant 0 : i32
      %sign3A_710 = arith.cmpi sgt, %add3A_706, %sign3A_709 : i32
      %sign3A_711 = arith.extui %sign3A_710 : i1 to i32
      %sign3A_712 = arith.constant 0 : i32
      %sign3A_713 = arith.cmpi slt, %add3A_706, %sign3A_712 : i32
      %sign3A_714 = arith.extui %sign3A_713 : i1 to i32
      %sign3A_715 = arith.subi %sign3A_711, %sign3A_714 : i32
      %sign3A_716 = arith.constant 0 : i32
      %sign3A_717 = arith.cmpi sgt, %jit3A_707, %sign3A_716 : i32
      %sign3A_718 = arith.extui %sign3A_717 : i1 to i32
      %sign3A_719 = arith.constant 0 : i32
      %sign3A_720 = arith.cmpi slt, %jit3A_707, %sign3A_719 : i32
      %sign3A_721 = arith.extui %sign3A_720 : i1 to i32
      %sign3A_722 = arith.subi %sign3A_718, %sign3A_721 : i32
      %ne3A_723 = arith.cmpi ne, %sign3A_715, %sign3A_722 : i32
      %rem3A_724 = arith.remsi %add3A_706, %jit3A_707 : i32
      %ne3A_725 = arith.constant 0 : i32
      %ne3A_726 = arith.cmpi ne, %rem3A_724, %ne3A_725 : i32
      %and3A_727 = arith.andi %ne3A_723, %ne3A_726 : i1
      %sub3A_728 = arith.constant 1 : i32
      %sub3A_729 = arith.subi %div3A_708, %sub3A_728 : i32
      %select_n3A_730 = arith.select %and3A_727, %sub3A_729, %div3A_708 : i32
      %jit3A_731 = arith.constant 4 : i32
      %eq3A_732 = arith.constant 0 : i32
      %eq3A_733 = arith.cmpi eq, %jit3A_731, %eq3A_732 : i32
      %jit3A_734 = arith.constant 1 : i32
      %select_n3A_735 = arith.select %eq3A_733, %jit3A_734, %jit3A_731 : i32
      %rem3A_736 = arith.remsi %add3A_706, %select_n3A_735 : i32
      %ne3A_737 = arith.constant 0 : i32
      %ne3A_738 = arith.cmpi ne, %rem3A_736, %ne3A_737 : i32
      %lt3A_739 = arith.constant 0 : i32
      %lt3A_740 = arith.cmpi slt, %rem3A_736, %lt3A_739 : i32
      %lt3A_741 = arith.constant 0 : i32
      %lt3A_742 = arith.cmpi slt, %select_n3A_735, %lt3A_741 : i32
      %ne3A_743 = arith.xori %lt3A_740, %lt3A_742 : i1
      %and3A_744 = arith.andi %ne3A_743, %ne3A_738 : i1
      %add3A_745 = arith.addi %rem3A_736, %select_n3A_735 : i32
      %select_n3A_746 = arith.select %and3A_744, %add3A_745, %rem3A_736 : i32
      %dma_wait3A_747 = arith.constant 1 : i32
      %dma_wait3A_748 = arith.constant 0 : i32
      %dma_wait3A_749 = arith.constant 0 : i32
      %dma_wait3A_750 = tpu.memref_slice %arg6[%dma_wait3A_747, %dma_wait3A_748, %dma_wait3A_749] : memref<8x128x64xf32, #tpu.memory_space<vmem>> -> memref<1x128x64xf32, #tpu.memory_space<vmem>>
      %dma_wait3A_751 = tpu.memref_squeeze %dma_wait3A_750 : memref<1x128x64xf32, #tpu.memory_space<vmem>> -> memref<128x64xf32, #tpu.memory_space<vmem>>
      %dma_wait3A_752 = arith.constant 0 : i32
      %dma_wait3A_753 = arith.constant 0 : i32
      %dma_wait3A_754 = tpu.memref_slice %arg2[%dma_wait3A_752, %dma_wait3A_753] : memref<100000x64xf32, #tpu.memory_space<hbm>> -> memref<128x64xf32, #tpu.memory_space<hbm>>
      %dma_wait3A_755 = arith.constant 0 : i32
      %dma_wait3A_756 = arith.constant 0 : i32
      %dma_wait3A_757 = tpu.memref_slice %arg6[%dma_wait3A_747, %dma_wait3A_755, %dma_wait3A_756] : memref<8x128x64xf32, #tpu.memory_space<vmem>> -> memref<1x128x64xf32, #tpu.memory_space<vmem>>
      %dma_wait3A_758 = tpu.memref_squeeze %dma_wait3A_757 : memref<1x128x64xf32, #tpu.memory_space<vmem>> -> memref<128x64xf32, #tpu.memory_space<vmem>>
      %dma_wait3A_759 = arith.constant 0 : i32
      %dma_wait3A_760 = arith.constant 0 : i32
      %dma_wait3A_761 = tpu.memref_slice %arg2[%dma_wait3A_759, %dma_wait3A_760] : memref<100000x64xf32, #tpu.memory_space<hbm>> -> memref<128x64xf32, #tpu.memory_space<hbm>>
      tpu.wait_dma2 semaphore(%arg8 : memref<!tpu.dma_semaphore, #tpu.memory_space<semaphore_mem>>) src(%dma_wait3A_761 : memref<128x64xf32, #tpu.memory_space<hbm>>) dst(%dma_wait3A_758 : memref<128x64xf32, #tpu.memory_space<vmem>>)
      %mul3A_762 = arith.constant 128 : i32
      %mul3A_763 = arith.muli %select_n3A_746, %mul3A_762 : i32
      %add3A_764 = arith.addi %mul3A_2, %mul3A_763 : i32
      %dma_start3A_765 = arith.constant 1 : i32
      %dma_start3A_766 = arith.constant 0 : i32
      %dma_start3A_767 = arith.constant 0 : i32
      %dma_start3A_768 = tpu.memref_slice %arg6[%dma_start3A_765, %dma_start3A_766, %dma_start3A_767] : memref<8x128x64xf32, #tpu.memory_space<vmem>> -> memref<1x128x64xf32, #tpu.memory_space<vmem>>
      %dma_start3A_769 = tpu.memref_squeeze %dma_start3A_768 : memref<1x128x64xf32, #tpu.memory_space<vmem>> -> memref<128x64xf32, #tpu.memory_space<vmem>>
      %dma_start3A_770 = arith.constant 0 : i32
      %dma_start3A_771 = tpu.memref_slice %arg4[%add3A_764, %select_n3A_730, %dma_start3A_770] : memref<16384x50x64xf32, #tpu.memory_space<hbm>> -> memref<128x1x64xf32, #tpu.memory_space<hbm>>
      %dma_start3A_772 = tpu.memref_squeeze %dma_start3A_771 : memref<128x1x64xf32, #tpu.memory_space<hbm>> -> memref<128x64xf32, #tpu.memory_space<hbm>>
      %dma_start3A_773 = arith.constant 0 : i32
      %dma_start3A_774 = tpu.memref_slice %arg4[%add3A_764, %select_n3A_730, %dma_start3A_773] : memref<16384x50x64xf32, #tpu.memory_space<hbm>> -> memref<128x1x64xf32, #tpu.memory_space<hbm>>
      %dma_start3A_775 = tpu.memref_squeeze %dma_start3A_774 : memref<128x1x64xf32, #tpu.memory_space<hbm>> -> memref<128x64xf32, #tpu.memory_space<hbm>>
      %dma_start3A_776 = arith.constant 0 : i32
      %dma_start3A_777 = arith.constant 0 : i32
      %dma_start3A_778 = tpu.memref_slice %arg6[%dma_start3A_765, %dma_start3A_776, %dma_start3A_777] : memref<8x128x64xf32, #tpu.memory_space<vmem>> -> memref<1x128x64xf32, #tpu.memory_space<vmem>>
      %dma_start3A_779 = tpu.memref_squeeze %dma_start3A_778 : memref<1x128x64xf32, #tpu.memory_space<vmem>> -> memref<128x64xf32, #tpu.memory_space<vmem>>
      tpu.enqueue_dma source(%dma_start3A_779 : memref<128x64xf32, #tpu.memory_space<vmem>>) target(%dma_start3A_775 : memref<128x64xf32, #tpu.memory_space<hbm>>) target_semaphore(%arg16 : memref<!tpu.dma_semaphore, #tpu.memory_space<semaphore_mem>>)
      %mul3A_780 = arith.constant 8 : i32
      %mul3A_781 = arith.muli %scan3A_151, %mul3A_780 : i32
      %add3A_782 = arith.constant 2 : i32
      %add3A_783 = arith.addi %mul3A_781, %add3A_782 : i32
      %jit3A_784 = arith.constant 4 : i32
      %div3A_785 = arith.divsi %add3A_783, %jit3A_784 : i32
      %sign3A_786 = arith.constant 0 : i32
      %sign3A_787 = arith.cmpi sgt, %add3A_783, %sign3A_786 : i32
      %sign3A_788 = arith.extui %sign3A_787 : i1 to i32
      %sign3A_789 = arith.constant 0 : i32
      %sign3A_790 = arith.cmpi slt, %add3A_783, %sign3A_789 : i32
      %sign3A_791 = arith.extui %sign3A_790 : i1 to i32
      %sign3A_792 = arith.subi %sign3A_788, %sign3A_791 : i32
      %sign3A_793 = arith.constant 0 : i32
      %sign3A_794 = arith.cmpi sgt, %jit3A_784, %sign3A_793 : i32
      %sign3A_795 = arith.extui %sign3A_794 : i1 to i32
      %sign3A_796 = arith.constant 0 : i32
      %sign3A_797 = arith.cmpi slt, %jit3A_784, %sign3A_796 : i32
      %sign3A_798 = arith.extui %sign3A_797 : i1 to i32
      %sign3A_799 = arith.subi %sign3A_795, %sign3A_798 : i32
      %ne3A_800 = arith.cmpi ne, %sign3A_792, %sign3A_799 : i32
      %rem3A_801 = arith.remsi %add3A_783, %jit3A_784 : i32
      %ne3A_802 = arith.constant 0 : i32
      %ne3A_803 = arith.cmpi ne, %rem3A_801, %ne3A_802 : i32
      %and3A_804 = arith.andi %ne3A_800, %ne3A_803 : i1
      %sub3A_805 = arith.constant 1 : i32
      %sub3A_806 = arith.subi %div3A_785, %sub3A_805 : i32
      %select_n3A_807 = arith.select %and3A_804, %sub3A_806, %div3A_785 : i32
      %jit3A_808 = arith.constant 4 : i32
      %eq3A_809 = arith.constant 0 : i32
      %eq3A_810 = arith.cmpi eq, %jit3A_808, %eq3A_809 : i32
      %jit3A_811 = arith.constant 1 : i32
      %select_n3A_812 = arith.select %eq3A_810, %jit3A_811, %jit3A_808 : i32
      %rem3A_813 = arith.remsi %add3A_783, %select_n3A_812 : i32
      %ne3A_814 = arith.constant 0 : i32
      %ne3A_815 = arith.cmpi ne, %rem3A_813, %ne3A_814 : i32
      %lt3A_816 = arith.constant 0 : i32
      %lt3A_817 = arith.cmpi slt, %rem3A_813, %lt3A_816 : i32
      %lt3A_818 = arith.constant 0 : i32
      %lt3A_819 = arith.cmpi slt, %select_n3A_812, %lt3A_818 : i32
      %ne3A_820 = arith.xori %lt3A_817, %lt3A_819 : i1
      %and3A_821 = arith.andi %ne3A_820, %ne3A_815 : i1
      %add3A_822 = arith.addi %rem3A_813, %select_n3A_812 : i32
      %select_n3A_823 = arith.select %and3A_821, %add3A_822, %rem3A_813 : i32
      %dma_wait3A_824 = arith.constant 2 : i32
      %dma_wait3A_825 = arith.constant 0 : i32
      %dma_wait3A_826 = arith.constant 0 : i32
      %dma_wait3A_827 = tpu.memref_slice %arg6[%dma_wait3A_824, %dma_wait3A_825, %dma_wait3A_826] : memref<8x128x64xf32, #tpu.memory_space<vmem>> -> memref<1x128x64xf32, #tpu.memory_space<vmem>>
      %dma_wait3A_828 = tpu.memref_squeeze %dma_wait3A_827 : memref<1x128x64xf32, #tpu.memory_space<vmem>> -> memref<128x64xf32, #tpu.memory_space<vmem>>
      %dma_wait3A_829 = arith.constant 0 : i32
      %dma_wait3A_830 = arith.constant 0 : i32
      %dma_wait3A_831 = tpu.memref_slice %arg2[%dma_wait3A_829, %dma_wait3A_830] : memref<100000x64xf32, #tpu.memory_space<hbm>> -> memref<128x64xf32, #tpu.memory_space<hbm>>
      %dma_wait3A_832 = arith.constant 0 : i32
      %dma_wait3A_833 = arith.constant 0 : i32
      %dma_wait3A_834 = tpu.memref_slice %arg6[%dma_wait3A_824, %dma_wait3A_832, %dma_wait3A_833] : memref<8x128x64xf32, #tpu.memory_space<vmem>> -> memref<1x128x64xf32, #tpu.memory_space<vmem>>
      %dma_wait3A_835 = tpu.memref_squeeze %dma_wait3A_834 : memref<1x128x64xf32, #tpu.memory_space<vmem>> -> memref<128x64xf32, #tpu.memory_space<vmem>>
      %dma_wait3A_836 = arith.constant 0 : i32
      %dma_wait3A_837 = arith.constant 0 : i32
      %dma_wait3A_838 = tpu.memref_slice %arg2[%dma_wait3A_836, %dma_wait3A_837] : memref<100000x64xf32, #tpu.memory_space<hbm>> -> memref<128x64xf32, #tpu.memory_space<hbm>>
      tpu.wait_dma2 semaphore(%arg9 : memref<!tpu.dma_semaphore, #tpu.memory_space<semaphore_mem>>) src(%dma_wait3A_838 : memref<128x64xf32, #tpu.memory_space<hbm>>) dst(%dma_wait3A_835 : memref<128x64xf32, #tpu.memory_space<vmem>>)
      %mul3A_839 = arith.constant 128 : i32
      %mul3A_840 = arith.muli %select_n3A_823, %mul3A_839 : i32
      %add3A_841 = arith.addi %mul3A_2, %mul3A_840 : i32
      %dma_start3A_842 = arith.constant 2 : i32
      %dma_start3A_843 = arith.constant 0 : i32
      %dma_start3A_844 = arith.constant 0 : i32
      %dma_start3A_845 = tpu.memref_slice %arg6[%dma_start3A_842, %dma_start3A_843, %dma_start3A_844] : memref<8x128x64xf32, #tpu.memory_space<vmem>> -> memref<1x128x64xf32, #tpu.memory_space<vmem>>
      %dma_start3A_846 = tpu.memref_squeeze %dma_start3A_845 : memref<1x128x64xf32, #tpu.memory_space<vmem>> -> memref<128x64xf32, #tpu.memory_space<vmem>>
      %dma_start3A_847 = arith.constant 0 : i32
      %dma_start3A_848 = tpu.memref_slice %arg4[%add3A_841, %select_n3A_807, %dma_start3A_847] : memref<16384x50x64xf32, #tpu.memory_space<hbm>> -> memref<128x1x64xf32, #tpu.memory_space<hbm>>
      %dma_start3A_849 = tpu.memref_squeeze %dma_start3A_848 : memref<128x1x64xf32, #tpu.memory_space<hbm>> -> memref<128x64xf32, #tpu.memory_space<hbm>>
      %dma_start3A_850 = arith.constant 0 : i32
      %dma_start3A_851 = tpu.memref_slice %arg4[%add3A_841, %select_n3A_807, %dma_start3A_850] : memref<16384x50x64xf32, #tpu.memory_space<hbm>> -> memref<128x1x64xf32, #tpu.memory_space<hbm>>
      %dma_start3A_852 = tpu.memref_squeeze %dma_start3A_851 : memref<128x1x64xf32, #tpu.memory_space<hbm>> -> memref<128x64xf32, #tpu.memory_space<hbm>>
      %dma_start3A_853 = arith.constant 0 : i32
      %dma_start3A_854 = arith.constant 0 : i32
      %dma_start3A_855 = tpu.memref_slice %arg6[%dma_start3A_842, %dma_start3A_853, %dma_start3A_854] : memref<8x128x64xf32, #tpu.memory_space<vmem>> -> memref<1x128x64xf32, #tpu.memory_space<vmem>>
      %dma_start3A_856 = tpu.memref_squeeze %dma_start3A_855 : memref<1x128x64xf32, #tpu.memory_space<vmem>> -> memref<128x64xf32, #tpu.memory_space<vmem>>
      tpu.enqueue_dma source(%dma_start3A_856 : memref<128x64xf32, #tpu.memory_space<vmem>>) target(%dma_start3A_852 : memref<128x64xf32, #tpu.memory_space<hbm>>) target_semaphore(%arg17 : memref<!tpu.dma_semaphore, #tpu.memory_space<semaphore_mem>>)
      %mul3A_857 = arith.constant 8 : i32
      %mul3A_858 = arith.muli %scan3A_151, %mul3A_857 : i32
      %add3A_859 = arith.constant 3 : i32
      %add3A_860 = arith.addi %mul3A_858, %add3A_859 : i32
      %jit3A_861 = arith.constant 4 : i32
      %div3A_862 = arith.divsi %add3A_860, %jit3A_861 : i32
      %sign3A_863 = arith.constant 0 : i32
      %sign3A_864 = arith.cmpi sgt, %add3A_860, %sign3A_863 : i32
      %sign3A_865 = arith.extui %sign3A_864 : i1 to i32
      %sign3A_866 = arith.constant 0 : i32
      %sign3A_867 = arith.cmpi slt, %add3A_860, %sign3A_866 : i32
      %sign3A_868 = arith.extui %sign3A_867 : i1 to i32
      %sign3A_869 = arith.subi %sign3A_865, %sign3A_868 : i32
      %sign3A_870 = arith.constant 0 : i32
      %sign3A_871 = arith.cmpi sgt, %jit3A_861, %sign3A_870 : i32
      %sign3A_872 = arith.extui %sign3A_871 : i1 to i32
      %sign3A_873 = arith.constant 0 : i32
      %sign3A_874 = arith.cmpi slt, %jit3A_861, %sign3A_873 : i32
      %sign3A_875 = arith.extui %sign3A_874 : i1 to i32
      %sign3A_876 = arith.subi %sign3A_872, %sign3A_875 : i32
      %ne3A_877 = arith.cmpi ne, %sign3A_869, %sign3A_876 : i32
      %rem3A_878 = arith.remsi %add3A_860, %jit3A_861 : i32
      %ne3A_879 = arith.constant 0 : i32
      %ne3A_880 = arith.cmpi ne, %rem3A_878, %ne3A_879 : i32
      %and3A_881 = arith.andi %ne3A_877, %ne3A_880 : i1
      %sub3A_882 = arith.constant 1 : i32
      %sub3A_883 = arith.subi %div3A_862, %sub3A_882 : i32
      %select_n3A_884 = arith.select %and3A_881, %sub3A_883, %div3A_862 : i32
      %jit3A_885 = arith.constant 4 : i32
      %eq3A_886 = arith.constant 0 : i32
      %eq3A_887 = arith.cmpi eq, %jit3A_885, %eq3A_886 : i32
      %jit3A_888 = arith.constant 1 : i32
      %select_n3A_889 = arith.select %eq3A_887, %jit3A_888, %jit3A_885 : i32
      %rem3A_890 = arith.remsi %add3A_860, %select_n3A_889 : i32
      %ne3A_891 = arith.constant 0 : i32
      %ne3A_892 = arith.cmpi ne, %rem3A_890, %ne3A_891 : i32
      %lt3A_893 = arith.constant 0 : i32
      %lt3A_894 = arith.cmpi slt, %rem3A_890, %lt3A_893 : i32
      %lt3A_895 = arith.constant 0 : i32
      %lt3A_896 = arith.cmpi slt, %select_n3A_889, %lt3A_895 : i32
      %ne3A_897 = arith.xori %lt3A_894, %lt3A_896 : i1
      %and3A_898 = arith.andi %ne3A_897, %ne3A_892 : i1
      %add3A_899 = arith.addi %rem3A_890, %select_n3A_889 : i32
      %select_n3A_900 = arith.select %and3A_898, %add3A_899, %rem3A_890 : i32
      %dma_wait3A_901 = arith.constant 3 : i32
      %dma_wait3A_902 = arith.constant 0 : i32
      %dma_wait3A_903 = arith.constant 0 : i32
      %dma_wait3A_904 = tpu.memref_slice %arg6[%dma_wait3A_901, %dma_wait3A_902, %dma_wait3A_903] : memref<8x128x64xf32, #tpu.memory_space<vmem>> -> memref<1x128x64xf32, #tpu.memory_space<vmem>>
      %dma_wait3A_905 = tpu.memref_squeeze %dma_wait3A_904 : memref<1x128x64xf32, #tpu.memory_space<vmem>> -> memref<128x64xf32, #tpu.memory_space<vmem>>
      %dma_wait3A_906 = arith.constant 0 : i32
      %dma_wait3A_907 = arith.constant 0 : i32
      %dma_wait3A_908 = tpu.memref_slice %arg2[%dma_wait3A_906, %dma_wait3A_907] : memref<100000x64xf32, #tpu.memory_space<hbm>> -> memref<128x64xf32, #tpu.memory_space<hbm>>
      %dma_wait3A_909 = arith.constant 0 : i32
      %dma_wait3A_910 = arith.constant 0 : i32
      %dma_wait3A_911 = tpu.memref_slice %arg6[%dma_wait3A_901, %dma_wait3A_909, %dma_wait3A_910] : memref<8x128x64xf32, #tpu.memory_space<vmem>> -> memref<1x128x64xf32, #tpu.memory_space<vmem>>
      %dma_wait3A_912 = tpu.memref_squeeze %dma_wait3A_911 : memref<1x128x64xf32, #tpu.memory_space<vmem>> -> memref<128x64xf32, #tpu.memory_space<vmem>>
      %dma_wait3A_913 = arith.constant 0 : i32
      %dma_wait3A_914 = arith.constant 0 : i32
      %dma_wait3A_915 = tpu.memref_slice %arg2[%dma_wait3A_913, %dma_wait3A_914] : memref<100000x64xf32, #tpu.memory_space<hbm>> -> memref<128x64xf32, #tpu.memory_space<hbm>>
      tpu.wait_dma2 semaphore(%arg10 : memref<!tpu.dma_semaphore, #tpu.memory_space<semaphore_mem>>) src(%dma_wait3A_915 : memref<128x64xf32, #tpu.memory_space<hbm>>) dst(%dma_wait3A_912 : memref<128x64xf32, #tpu.memory_space<vmem>>)
      %mul3A_916 = arith.constant 128 : i32
      %mul3A_917 = arith.muli %select_n3A_900, %mul3A_916 : i32
      %add3A_918 = arith.addi %mul3A_2, %mul3A_917 : i32
      %dma_start3A_919 = arith.constant 3 : i32
      %dma_start3A_920 = arith.constant 0 : i32
      %dma_start3A_921 = arith.constant 0 : i32
      %dma_start3A_922 = tpu.memref_slice %arg6[%dma_start3A_919, %dma_start3A_920, %dma_start3A_921] : memref<8x128x64xf32, #tpu.memory_space<vmem>> -> memref<1x128x64xf32, #tpu.memory_space<vmem>>
      %dma_start3A_923 = tpu.memref_squeeze %dma_start3A_922 : memref<1x128x64xf32, #tpu.memory_space<vmem>> -> memref<128x64xf32, #tpu.memory_space<vmem>>
      %dma_start3A_924 = arith.constant 0 : i32
      %dma_start3A_925 = tpu.memref_slice %arg4[%add3A_918, %select_n3A_884, %dma_start3A_924] : memref<16384x50x64xf32, #tpu.memory_space<hbm>> -> memref<128x1x64xf32, #tpu.memory_space<hbm>>
      %dma_start3A_926 = tpu.memref_squeeze %dma_start3A_925 : memref<128x1x64xf32, #tpu.memory_space<hbm>> -> memref<128x64xf32, #tpu.memory_space<hbm>>
      %dma_start3A_927 = arith.constant 0 : i32
      %dma_start3A_928 = tpu.memref_slice %arg4[%add3A_918, %select_n3A_884, %dma_start3A_927] : memref<16384x50x64xf32, #tpu.memory_space<hbm>> -> memref<128x1x64xf32, #tpu.memory_space<hbm>>
      %dma_start3A_929 = tpu.memref_squeeze %dma_start3A_928 : memref<128x1x64xf32, #tpu.memory_space<hbm>> -> memref<128x64xf32, #tpu.memory_space<hbm>>
      %dma_start3A_930 = arith.constant 0 : i32
      %dma_start3A_931 = arith.constant 0 : i32
      %dma_start3A_932 = tpu.memref_slice %arg6[%dma_start3A_919, %dma_start3A_930, %dma_start3A_931] : memref<8x128x64xf32, #tpu.memory_space<vmem>> -> memref<1x128x64xf32, #tpu.memory_space<vmem>>
      %dma_start3A_933 = tpu.memref_squeeze %dma_start3A_932 : memref<1x128x64xf32, #tpu.memory_space<vmem>> -> memref<128x64xf32, #tpu.memory_space<vmem>>
      tpu.enqueue_dma source(%dma_start3A_933 : memref<128x64xf32, #tpu.memory_space<vmem>>) target(%dma_start3A_929 : memref<128x64xf32, #tpu.memory_space<hbm>>) target_semaphore(%arg18 : memref<!tpu.dma_semaphore, #tpu.memory_space<semaphore_mem>>)
      %mul3A_934 = arith.constant 8 : i32
      %mul3A_935 = arith.muli %scan3A_151, %mul3A_934 : i32
      %add3A_936 = arith.constant 4 : i32
      %add3A_937 = arith.addi %mul3A_935, %add3A_936 : i32
      %jit3A_938 = arith.constant 4 : i32
      %div3A_939 = arith.divsi %add3A_937, %jit3A_938 : i32
      %sign3A_940 = arith.constant 0 : i32
      %sign3A_941 = arith.cmpi sgt, %add3A_937, %sign3A_940 : i32
      %sign3A_942 = arith.extui %sign3A_941 : i1 to i32
      %sign3A_943 = arith.constant 0 : i32
      %sign3A_944 = arith.cmpi slt, %add3A_937, %sign3A_943 : i32
      %sign3A_945 = arith.extui %sign3A_944 : i1 to i32
      %sign3A_946 = arith.subi %sign3A_942, %sign3A_945 : i32
      %sign3A_947 = arith.constant 0 : i32
      %sign3A_948 = arith.cmpi sgt, %jit3A_938, %sign3A_947 : i32
      %sign3A_949 = arith.extui %sign3A_948 : i1 to i32
      %sign3A_950 = arith.constant 0 : i32
      %sign3A_951 = arith.cmpi slt, %jit3A_938, %sign3A_950 : i32
      %sign3A_952 = arith.extui %sign3A_951 : i1 to i32
      %sign3A_953 = arith.subi %sign3A_949, %sign3A_952 : i32
      %ne3A_954 = arith.cmpi ne, %sign3A_946, %sign3A_953 : i32
      %rem3A_955 = arith.remsi %add3A_937, %jit3A_938 : i32
      %ne3A_956 = arith.constant 0 : i32
      %ne3A_957 = arith.cmpi ne, %rem3A_955, %ne3A_956 : i32
      %and3A_958 = arith.andi %ne3A_954, %ne3A_957 : i1
      %sub3A_959 = arith.constant 1 : i32
      %sub3A_960 = arith.subi %div3A_939, %sub3A_959 : i32
      %select_n3A_961 = arith.select %and3A_958, %sub3A_960, %div3A_939 : i32
      %jit3A_962 = arith.constant 4 : i32
      %eq3A_963 = arith.constant 0 : i32
      %eq3A_964 = arith.cmpi eq, %jit3A_962, %eq3A_963 : i32
      %jit3A_965 = arith.constant 1 : i32
      %select_n3A_966 = arith.select %eq3A_964, %jit3A_965, %jit3A_962 : i32
      %rem3A_967 = arith.remsi %add3A_937, %select_n3A_966 : i32
      %ne3A_968 = arith.constant 0 : i32
      %ne3A_969 = arith.cmpi ne, %rem3A_967, %ne3A_968 : i32
      %lt3A_970 = arith.constant 0 : i32
      %lt3A_971 = arith.cmpi slt, %rem3A_967, %lt3A_970 : i32
      %lt3A_972 = arith.constant 0 : i32
      %lt3A_973 = arith.cmpi slt, %select_n3A_966, %lt3A_972 : i32
      %ne3A_974 = arith.xori %lt3A_971, %lt3A_973 : i1
      %and3A_975 = arith.andi %ne3A_974, %ne3A_969 : i1
      %add3A_976 = arith.addi %rem3A_967, %select_n3A_966 : i32
      %select_n3A_977 = arith.select %and3A_975, %add3A_976, %rem3A_967 : i32
      %dma_wait3A_978 = arith.constant 4 : i32
      %dma_wait3A_979 = arith.constant 0 : i32
      %dma_wait3A_980 = arith.constant 0 : i32
      %dma_wait3A_981 = tpu.memref_slice %arg6[%dma_wait3A_978, %dma_wait3A_979, %dma_wait3A_980] : memref<8x128x64xf32, #tpu.memory_space<vmem>> -> memref<1x128x64xf32, #tpu.memory_space<vmem>>
      %dma_wait3A_982 = tpu.memref_squeeze %dma_wait3A_981 : memref<1x128x64xf32, #tpu.memory_space<vmem>> -> memref<128x64xf32, #tpu.memory_space<vmem>>
      %dma_wait3A_983 = arith.constant 0 : i32
      %dma_wait3A_984 = arith.constant 0 : i32
      %dma_wait3A_985 = tpu.memref_slice %arg2[%dma_wait3A_983, %dma_wait3A_984] : memref<100000x64xf32, #tpu.memory_space<hbm>> -> memref<128x64xf32, #tpu.memory_space<hbm>>
      %dma_wait3A_986 = arith.constant 0 : i32
      %dma_wait3A_987 = arith.constant 0 : i32
      %dma_wait3A_988 = tpu.memref_slice %arg6[%dma_wait3A_978, %dma_wait3A_986, %dma_wait3A_987] : memref<8x128x64xf32, #tpu.memory_space<vmem>> -> memref<1x128x64xf32, #tpu.memory_space<vmem>>
      %dma_wait3A_989 = tpu.memref_squeeze %dma_wait3A_988 : memref<1x128x64xf32, #tpu.memory_space<vmem>> -> memref<128x64xf32, #tpu.memory_space<vmem>>
      %dma_wait3A_990 = arith.constant 0 : i32
      %dma_wait3A_991 = arith.constant 0 : i32
      %dma_wait3A_992 = tpu.memref_slice %arg2[%dma_wait3A_990, %dma_wait3A_991] : memref<100000x64xf32, #tpu.memory_space<hbm>> -> memref<128x64xf32, #tpu.memory_space<hbm>>
      tpu.wait_dma2 semaphore(%arg11 : memref<!tpu.dma_semaphore, #tpu.memory_space<semaphore_mem>>) src(%dma_wait3A_992 : memref<128x64xf32, #tpu.memory_space<hbm>>) dst(%dma_wait3A_989 : memref<128x64xf32, #tpu.memory_space<vmem>>)
      %mul3A_993 = arith.constant 128 : i32
      %mul3A_994 = arith.muli %select_n3A_977, %mul3A_993 : i32
      %add3A_995 = arith.addi %mul3A_2, %mul3A_994 : i32
      %dma_start3A_996 = arith.constant 4 : i32
      %dma_start3A_997 = arith.constant 0 : i32
      %dma_start3A_998 = arith.constant 0 : i32
      %dma_start3A_999 = tpu.memref_slice %arg6[%dma_start3A_996, %dma_start3A_997, %dma_start3A_998] : memref<8x128x64xf32, #tpu.memory_space<vmem>> -> memref<1x128x64xf32, #tpu.memory_space<vmem>>
      %dma_start3A_1000 = tpu.memref_squeeze %dma_start3A_999 : memref<1x128x64xf32, #tpu.memory_space<vmem>> -> memref<128x64xf32, #tpu.memory_space<vmem>>
      %dma_start3A_1001 = arith.constant 0 : i32
      %dma_start3A_1002 = tpu.memref_slice %arg4[%add3A_995, %select_n3A_961, %dma_start3A_1001] : memref<16384x50x64xf32, #tpu.memory_space<hbm>> -> memref<128x1x64xf32, #tpu.memory_space<hbm>>
      %dma_start3A_1003 = tpu.memref_squeeze %dma_start3A_1002 : memref<128x1x64xf32, #tpu.memory_space<hbm>> -> memref<128x64xf32, #tpu.memory_space<hbm>>
      %dma_start3A_1004 = arith.constant 0 : i32
      %dma_start3A_1005 = tpu.memref_slice %arg4[%add3A_995, %select_n3A_961, %dma_start3A_1004] : memref<16384x50x64xf32, #tpu.memory_space<hbm>> -> memref<128x1x64xf32, #tpu.memory_space<hbm>>
      %dma_start3A_1006 = tpu.memref_squeeze %dma_start3A_1005 : memref<128x1x64xf32, #tpu.memory_space<hbm>> -> memref<128x64xf32, #tpu.memory_space<hbm>>
      %dma_start3A_1007 = arith.constant 0 : i32
      %dma_start3A_1008 = arith.constant 0 : i32
      %dma_start3A_1009 = tpu.memref_slice %arg6[%dma_start3A_996, %dma_start3A_1007, %dma_start3A_1008] : memref<8x128x64xf32, #tpu.memory_space<vmem>> -> memref<1x128x64xf32, #tpu.memory_space<vmem>>
      %dma_start3A_1010 = tpu.memref_squeeze %dma_start3A_1009 : memref<1x128x64xf32, #tpu.memory_space<vmem>> -> memref<128x64xf32, #tpu.memory_space<vmem>>
      tpu.enqueue_dma source(%dma_start3A_1010 : memref<128x64xf32, #tpu.memory_space<vmem>>) target(%dma_start3A_1006 : memref<128x64xf32, #tpu.memory_space<hbm>>) target_semaphore(%arg19 : memref<!tpu.dma_semaphore, #tpu.memory_space<semaphore_mem>>)
      %mul3A_1011 = arith.constant 8 : i32
      %mul3A_1012 = arith.muli %scan3A_151, %mul3A_1011 : i32
      %add3A_1013 = arith.constant 5 : i32
      %add3A_1014 = arith.addi %mul3A_1012, %add3A_1013 : i32
      %jit3A_1015 = arith.constant 4 : i32
      %div3A_1016 = arith.divsi %add3A_1014, %jit3A_1015 : i32
      %sign3A_1017 = arith.constant 0 : i32
      %sign3A_1018 = arith.cmpi sgt, %add3A_1014, %sign3A_1017 : i32
      %sign3A_1019 = arith.extui %sign3A_1018 : i1 to i32
      %sign3A_1020 = arith.constant 0 : i32
      %sign3A_1021 = arith.cmpi slt, %add3A_1014, %sign3A_1020 : i32
      %sign3A_1022 = arith.extui %sign3A_1021 : i1 to i32
      %sign3A_1023 = arith.subi %sign3A_1019, %sign3A_1022 : i32
      %sign3A_1024 = arith.constant 0 : i32
      %sign3A_1025 = arith.cmpi sgt, %jit3A_1015, %sign3A_1024 : i32
      %sign3A_1026 = arith.extui %sign3A_1025 : i1 to i32
      %sign3A_1027 = arith.constant 0 : i32
      %sign3A_1028 = arith.cmpi slt, %jit3A_1015, %sign3A_1027 : i32
      %sign3A_1029 = arith.extui %sign3A_1028 : i1 to i32
      %sign3A_1030 = arith.subi %sign3A_1026, %sign3A_1029 : i32
      %ne3A_1031 = arith.cmpi ne, %sign3A_1023, %sign3A_1030 : i32
      %rem3A_1032 = arith.remsi %add3A_1014, %jit3A_1015 : i32
      %ne3A_1033 = arith.constant 0 : i32
      %ne3A_1034 = arith.cmpi ne, %rem3A_1032, %ne3A_1033 : i32
      %and3A_1035 = arith.andi %ne3A_1031, %ne3A_1034 : i1
      %sub3A_1036 = arith.constant 1 : i32
      %sub3A_1037 = arith.subi %div3A_1016, %sub3A_1036 : i32
      %select_n3A_1038 = arith.select %and3A_1035, %sub3A_1037, %div3A_1016 : i32
      %jit3A_1039 = arith.constant 4 : i32
      %eq3A_1040 = arith.constant 0 : i32
      %eq3A_1041 = arith.cmpi eq, %jit3A_1039, %eq3A_1040 : i32
      %jit3A_1042 = arith.constant 1 : i32
      %select_n3A_1043 = arith.select %eq3A_1041, %jit3A_1042, %jit3A_1039 : i32
      %rem3A_1044 = arith.remsi %add3A_1014, %select_n3A_1043 : i32
      %ne3A_1045 = arith.constant 0 : i32
      %ne3A_1046 = arith.cmpi ne, %rem3A_1044, %ne3A_1045 : i32
      %lt3A_1047 = arith.constant 0 : i32
      %lt3A_1048 = arith.cmpi slt, %rem3A_1044, %lt3A_1047 : i32
      %lt3A_1049 = arith.constant 0 : i32
      %lt3A_1050 = arith.cmpi slt, %select_n3A_1043, %lt3A_1049 : i32
      %ne3A_1051 = arith.xori %lt3A_1048, %lt3A_1050 : i1
      %and3A_1052 = arith.andi %ne3A_1051, %ne3A_1046 : i1
      %add3A_1053 = arith.addi %rem3A_1044, %select_n3A_1043 : i32
      %select_n3A_1054 = arith.select %and3A_1052, %add3A_1053, %rem3A_1044 : i32
      %dma_wait3A_1055 = arith.constant 5 : i32
      %dma_wait3A_1056 = arith.constant 0 : i32
      %dma_wait3A_1057 = arith.constant 0 : i32
      %dma_wait3A_1058 = tpu.memref_slice %arg6[%dma_wait3A_1055, %dma_wait3A_1056, %dma_wait3A_1057] : memref<8x128x64xf32, #tpu.memory_space<vmem>> -> memref<1x128x64xf32, #tpu.memory_space<vmem>>
      %dma_wait3A_1059 = tpu.memref_squeeze %dma_wait3A_1058 : memref<1x128x64xf32, #tpu.memory_space<vmem>> -> memref<128x64xf32, #tpu.memory_space<vmem>>
      %dma_wait3A_1060 = arith.constant 0 : i32
      %dma_wait3A_1061 = arith.constant 0 : i32
      %dma_wait3A_1062 = tpu.memref_slice %arg2[%dma_wait3A_1060, %dma_wait3A_1061] : memref<100000x64xf32, #tpu.memory_space<hbm>> -> memref<128x64xf32, #tpu.memory_space<hbm>>
      %dma_wait3A_1063 = arith.constant 0 : i32
      %dma_wait3A_1064 = arith.constant 0 : i32
      %dma_wait3A_1065 = tpu.memref_slice %arg6[%dma_wait3A_1055, %dma_wait3A_1063, %dma_wait3A_1064] : memref<8x128x64xf32, #tpu.memory_space<vmem>> -> memref<1x128x64xf32, #tpu.memory_space<vmem>>
      %dma_wait3A_1066 = tpu.memref_squeeze %dma_wait3A_1065 : memref<1x128x64xf32, #tpu.memory_space<vmem>> -> memref<128x64xf32, #tpu.memory_space<vmem>>
      %dma_wait3A_1067 = arith.constant 0 : i32
      %dma_wait3A_1068 = arith.constant 0 : i32
      %dma_wait3A_1069 = tpu.memref_slice %arg2[%dma_wait3A_1067, %dma_wait3A_1068] : memref<100000x64xf32, #tpu.memory_space<hbm>> -> memref<128x64xf32, #tpu.memory_space<hbm>>
      tpu.wait_dma2 semaphore(%arg12 : memref<!tpu.dma_semaphore, #tpu.memory_space<semaphore_mem>>) src(%dma_wait3A_1069 : memref<128x64xf32, #tpu.memory_space<hbm>>) dst(%dma_wait3A_1066 : memref<128x64xf32, #tpu.memory_space<vmem>>)
      %mul3A_1070 = arith.constant 128 : i32
      %mul3A_1071 = arith.muli %select_n3A_1054, %mul3A_1070 : i32
      %add3A_1072 = arith.addi %mul3A_2, %mul3A_1071 : i32
      %dma_start3A_1073 = arith.constant 5 : i32
      %dma_start3A_1074 = arith.constant 0 : i32
      %dma_start3A_1075 = arith.constant 0 : i32
      %dma_start3A_1076 = tpu.memref_slice %arg6[%dma_start3A_1073, %dma_start3A_1074, %dma_start3A_1075] : memref<8x128x64xf32, #tpu.memory_space<vmem>> -> memref<1x128x64xf32, #tpu.memory_space<vmem>>
      %dma_start3A_1077 = tpu.memref_squeeze %dma_start3A_1076 : memref<1x128x64xf32, #tpu.memory_space<vmem>> -> memref<128x64xf32, #tpu.memory_space<vmem>>
      %dma_start3A_1078 = arith.constant 0 : i32
      %dma_start3A_1079 = tpu.memref_slice %arg4[%add3A_1072, %select_n3A_1038, %dma_start3A_1078] : memref<16384x50x64xf32, #tpu.memory_space<hbm>> -> memref<128x1x64xf32, #tpu.memory_space<hbm>>
      %dma_start3A_1080 = tpu.memref_squeeze %dma_start3A_1079 : memref<128x1x64xf32, #tpu.memory_space<hbm>> -> memref<128x64xf32, #tpu.memory_space<hbm>>
      %dma_start3A_1081 = arith.constant 0 : i32
      %dma_start3A_1082 = tpu.memref_slice %arg4[%add3A_1072, %select_n3A_1038, %dma_start3A_1081] : memref<16384x50x64xf32, #tpu.memory_space<hbm>> -> memref<128x1x64xf32, #tpu.memory_space<hbm>>
      %dma_start3A_1083 = tpu.memref_squeeze %dma_start3A_1082 : memref<128x1x64xf32, #tpu.memory_space<hbm>> -> memref<128x64xf32, #tpu.memory_space<hbm>>
      %dma_start3A_1084 = arith.constant 0 : i32
      %dma_start3A_1085 = arith.constant 0 : i32
      %dma_start3A_1086 = tpu.memref_slice %arg6[%dma_start3A_1073, %dma_start3A_1084, %dma_start3A_1085] : memref<8x128x64xf32, #tpu.memory_space<vmem>> -> memref<1x128x64xf32, #tpu.memory_space<vmem>>
      %dma_start3A_1087 = tpu.memref_squeeze %dma_start3A_1086 : memref<1x128x64xf32, #tpu.memory_space<vmem>> -> memref<128x64xf32, #tpu.memory_space<vmem>>
      tpu.enqueue_dma source(%dma_start3A_1087 : memref<128x64xf32, #tpu.memory_space<vmem>>) target(%dma_start3A_1083 : memref<128x64xf32, #tpu.memory_space<hbm>>) target_semaphore(%arg20 : memref<!tpu.dma_semaphore, #tpu.memory_space<semaphore_mem>>)
      %mul3A_1088 = arith.constant 8 : i32
      %mul3A_1089 = arith.muli %scan3A_151, %mul3A_1088 : i32
      %add3A_1090 = arith.constant 6 : i32
      %add3A_1091 = arith.addi %mul3A_1089, %add3A_1090 : i32
      %jit3A_1092 = arith.constant 4 : i32
      %div3A_1093 = arith.divsi %add3A_1091, %jit3A_1092 : i32
      %sign3A_1094 = arith.constant 0 : i32
      %sign3A_1095 = arith.cmpi sgt, %add3A_1091, %sign3A_1094 : i32
      %sign3A_1096 = arith.extui %sign3A_1095 : i1 to i32
      %sign3A_1097 = arith.constant 0 : i32
      %sign3A_1098 = arith.cmpi slt, %add3A_1091, %sign3A_1097 : i32
      %sign3A_1099 = arith.extui %sign3A_1098 : i1 to i32
      %sign3A_1100 = arith.subi %sign3A_1096, %sign3A_1099 : i32
      %sign3A_1101 = arith.constant 0 : i32
      %sign3A_1102 = arith.cmpi sgt, %jit3A_1092, %sign3A_1101 : i32
      %sign3A_1103 = arith.extui %sign3A_1102 : i1 to i32
      %sign3A_1104 = arith.constant 0 : i32
      %sign3A_1105 = arith.cmpi slt, %jit3A_1092, %sign3A_1104 : i32
      %sign3A_1106 = arith.extui %sign3A_1105 : i1 to i32
      %sign3A_1107 = arith.subi %sign3A_1103, %sign3A_1106 : i32
      %ne3A_1108 = arith.cmpi ne, %sign3A_1100, %sign3A_1107 : i32
      %rem3A_1109 = arith.remsi %add3A_1091, %jit3A_1092 : i32
      %ne3A_1110 = arith.constant 0 : i32
      %ne3A_1111 = arith.cmpi ne, %rem3A_1109, %ne3A_1110 : i32
      %and3A_1112 = arith.andi %ne3A_1108, %ne3A_1111 : i1
      %sub3A_1113 = arith.constant 1 : i32
      %sub3A_1114 = arith.subi %div3A_1093, %sub3A_1113 : i32
      %select_n3A_1115 = arith.select %and3A_1112, %sub3A_1114, %div3A_1093 : i32
      %jit3A_1116 = arith.constant 4 : i32
      %eq3A_1117 = arith.constant 0 : i32
      %eq3A_1118 = arith.cmpi eq, %jit3A_1116, %eq3A_1117 : i32
      %jit3A_1119 = arith.constant 1 : i32
      %select_n3A_1120 = arith.select %eq3A_1118, %jit3A_1119, %jit3A_1116 : i32
      %rem3A_1121 = arith.remsi %add3A_1091, %select_n3A_1120 : i32
      %ne3A_1122 = arith.constant 0 : i32
      %ne3A_1123 = arith.cmpi ne, %rem3A_1121, %ne3A_1122 : i32
      %lt3A_1124 = arith.constant 0 : i32
      %lt3A_1125 = arith.cmpi slt, %rem3A_1121, %lt3A_1124 : i32
      %lt3A_1126 = arith.constant 0 : i32
      %lt3A_1127 = arith.cmpi slt, %select_n3A_1120, %lt3A_1126 : i32
      %ne3A_1128 = arith.xori %lt3A_1125, %lt3A_1127 : i1
      %and3A_1129 = arith.andi %ne3A_1128, %ne3A_1123 : i1
      %add3A_1130 = arith.addi %rem3A_1121, %select_n3A_1120 : i32
      %select_n3A_1131 = arith.select %and3A_1129, %add3A_1130, %rem3A_1121 : i32
      %dma_wait3A_1132 = arith.constant 6 : i32
      %dma_wait3A_1133 = arith.constant 0 : i32
      %dma_wait3A_1134 = arith.constant 0 : i32
      %dma_wait3A_1135 = tpu.memref_slice %arg6[%dma_wait3A_1132, %dma_wait3A_1133, %dma_wait3A_1134] : memref<8x128x64xf32, #tpu.memory_space<vmem>> -> memref<1x128x64xf32, #tpu.memory_space<vmem>>
      %dma_wait3A_1136 = tpu.memref_squeeze %dma_wait3A_1135 : memref<1x128x64xf32, #tpu.memory_space<vmem>> -> memref<128x64xf32, #tpu.memory_space<vmem>>
      %dma_wait3A_1137 = arith.constant 0 : i32
      %dma_wait3A_1138 = arith.constant 0 : i32
      %dma_wait3A_1139 = tpu.memref_slice %arg2[%dma_wait3A_1137, %dma_wait3A_1138] : memref<100000x64xf32, #tpu.memory_space<hbm>> -> memref<128x64xf32, #tpu.memory_space<hbm>>
      %dma_wait3A_1140 = arith.constant 0 : i32
      %dma_wait3A_1141 = arith.constant 0 : i32
      %dma_wait3A_1142 = tpu.memref_slice %arg6[%dma_wait3A_1132, %dma_wait3A_1140, %dma_wait3A_1141] : memref<8x128x64xf32, #tpu.memory_space<vmem>> -> memref<1x128x64xf32, #tpu.memory_space<vmem>>
      %dma_wait3A_1143 = tpu.memref_squeeze %dma_wait3A_1142 : memref<1x128x64xf32, #tpu.memory_space<vmem>> -> memref<128x64xf32, #tpu.memory_space<vmem>>
      %dma_wait3A_1144 = arith.constant 0 : i32
      %dma_wait3A_1145 = arith.constant 0 : i32
      %dma_wait3A_1146 = tpu.memref_slice %arg2[%dma_wait3A_1144, %dma_wait3A_1145] : memref<100000x64xf32, #tpu.memory_space<hbm>> -> memref<128x64xf32, #tpu.memory_space<hbm>>
      tpu.wait_dma2 semaphore(%arg13 : memref<!tpu.dma_semaphore, #tpu.memory_space<semaphore_mem>>) src(%dma_wait3A_1146 : memref<128x64xf32, #tpu.memory_space<hbm>>) dst(%dma_wait3A_1143 : memref<128x64xf32, #tpu.memory_space<vmem>>)
      %mul3A_1147 = arith.constant 128 : i32
      %mul3A_1148 = arith.muli %select_n3A_1131, %mul3A_1147 : i32
      %add3A_1149 = arith.addi %mul3A_2, %mul3A_1148 : i32
      %dma_start3A_1150 = arith.constant 6 : i32
      %dma_start3A_1151 = arith.constant 0 : i32
      %dma_start3A_1152 = arith.constant 0 : i32
      %dma_start3A_1153 = tpu.memref_slice %arg6[%dma_start3A_1150, %dma_start3A_1151, %dma_start3A_1152] : memref<8x128x64xf32, #tpu.memory_space<vmem>> -> memref<1x128x64xf32, #tpu.memory_space<vmem>>
      %dma_start3A_1154 = tpu.memref_squeeze %dma_start3A_1153 : memref<1x128x64xf32, #tpu.memory_space<vmem>> -> memref<128x64xf32, #tpu.memory_space<vmem>>
      %dma_start3A_1155 = arith.constant 0 : i32
      %dma_start3A_1156 = tpu.memref_slice %arg4[%add3A_1149, %select_n3A_1115, %dma_start3A_1155] : memref<16384x50x64xf32, #tpu.memory_space<hbm>> -> memref<128x1x64xf32, #tpu.memory_space<hbm>>
      %dma_start3A_1157 = tpu.memref_squeeze %dma_start3A_1156 : memref<128x1x64xf32, #tpu.memory_space<hbm>> -> memref<128x64xf32, #tpu.memory_space<hbm>>
      %dma_start3A_1158 = arith.constant 0 : i32
      %dma_start3A_1159 = tpu.memref_slice %arg4[%add3A_1149, %select_n3A_1115, %dma_start3A_1158] : memref<16384x50x64xf32, #tpu.memory_space<hbm>> -> memref<128x1x64xf32, #tpu.memory_space<hbm>>
      %dma_start3A_1160 = tpu.memref_squeeze %dma_start3A_1159 : memref<128x1x64xf32, #tpu.memory_space<hbm>> -> memref<128x64xf32, #tpu.memory_space<hbm>>
      %dma_start3A_1161 = arith.constant 0 : i32
      %dma_start3A_1162 = arith.constant 0 : i32
      %dma_start3A_1163 = tpu.memref_slice %arg6[%dma_start3A_1150, %dma_start3A_1161, %dma_start3A_1162] : memref<8x128x64xf32, #tpu.memory_space<vmem>> -> memref<1x128x64xf32, #tpu.memory_space<vmem>>
      %dma_start3A_1164 = tpu.memref_squeeze %dma_start3A_1163 : memref<1x128x64xf32, #tpu.memory_space<vmem>> -> memref<128x64xf32, #tpu.memory_space<vmem>>
      tpu.enqueue_dma source(%dma_start3A_1164 : memref<128x64xf32, #tpu.memory_space<vmem>>) target(%dma_start3A_1160 : memref<128x64xf32, #tpu.memory_space<hbm>>) target_semaphore(%arg21 : memref<!tpu.dma_semaphore, #tpu.memory_space<semaphore_mem>>)
      %mul3A_1165 = arith.constant 8 : i32
      %mul3A_1166 = arith.muli %scan3A_151, %mul3A_1165 : i32
      %add3A_1167 = arith.constant 7 : i32
      %add3A_1168 = arith.addi %mul3A_1166, %add3A_1167 : i32
      %jit3A_1169 = arith.constant 4 : i32
      %div3A_1170 = arith.divsi %add3A_1168, %jit3A_1169 : i32
      %sign3A_1171 = arith.constant 0 : i32
      %sign3A_1172 = arith.cmpi sgt, %add3A_1168, %sign3A_1171 : i32
      %sign3A_1173 = arith.extui %sign3A_1172 : i1 to i32
      %sign3A_1174 = arith.constant 0 : i32
      %sign3A_1175 = arith.cmpi slt, %add3A_1168, %sign3A_1174 : i32
      %sign3A_1176 = arith.extui %sign3A_1175 : i1 to i32
      %sign3A_1177 = arith.subi %sign3A_1173, %sign3A_1176 : i32
      %sign3A_1178 = arith.constant 0 : i32
      %sign3A_1179 = arith.cmpi sgt, %jit3A_1169, %sign3A_1178 : i32
      %sign3A_1180 = arith.extui %sign3A_1179 : i1 to i32
      %sign3A_1181 = arith.constant 0 : i32
      %sign3A_1182 = arith.cmpi slt, %jit3A_1169, %sign3A_1181 : i32
      %sign3A_1183 = arith.extui %sign3A_1182 : i1 to i32
      %sign3A_1184 = arith.subi %sign3A_1180, %sign3A_1183 : i32
      %ne3A_1185 = arith.cmpi ne, %sign3A_1177, %sign3A_1184 : i32
      %rem3A_1186 = arith.remsi %add3A_1168, %jit3A_1169 : i32
      %ne3A_1187 = arith.constant 0 : i32
      %ne3A_1188 = arith.cmpi ne, %rem3A_1186, %ne3A_1187 : i32
      %and3A_1189 = arith.andi %ne3A_1185, %ne3A_1188 : i1
      %sub3A_1190 = arith.constant 1 : i32
      %sub3A_1191 = arith.subi %div3A_1170, %sub3A_1190 : i32
      %select_n3A_1192 = arith.select %and3A_1189, %sub3A_1191, %div3A_1170 : i32
      %jit3A_1193 = arith.constant 4 : i32
      %eq3A_1194 = arith.constant 0 : i32
      %eq3A_1195 = arith.cmpi eq, %jit3A_1193, %eq3A_1194 : i32
      %jit3A_1196 = arith.constant 1 : i32
      %select_n3A_1197 = arith.select %eq3A_1195, %jit3A_1196, %jit3A_1193 : i32
      %rem3A_1198 = arith.remsi %add3A_1168, %select_n3A_1197 : i32
      %ne3A_1199 = arith.constant 0 : i32
      %ne3A_1200 = arith.cmpi ne, %rem3A_1198, %ne3A_1199 : i32
      %lt3A_1201 = arith.constant 0 : i32
      %lt3A_1202 = arith.cmpi slt, %rem3A_1198, %lt3A_1201 : i32
      %lt3A_1203 = arith.constant 0 : i32
      %lt3A_1204 = arith.cmpi slt, %select_n3A_1197, %lt3A_1203 : i32
      %ne3A_1205 = arith.xori %lt3A_1202, %lt3A_1204 : i1
      %and3A_1206 = arith.andi %ne3A_1205, %ne3A_1200 : i1
      %add3A_1207 = arith.addi %rem3A_1198, %select_n3A_1197 : i32
      %select_n3A_1208 = arith.select %and3A_1206, %add3A_1207, %rem3A_1198 : i32
      %dma_wait3A_1209 = arith.constant 7 : i32
      %dma_wait3A_1210 = arith.constant 0 : i32
      %dma_wait3A_1211 = arith.constant 0 : i32
      %dma_wait3A_1212 = tpu.memref_slice %arg6[%dma_wait3A_1209, %dma_wait3A_1210, %dma_wait3A_1211] : memref<8x128x64xf32, #tpu.memory_space<vmem>> -> memref<1x128x64xf32, #tpu.memory_space<vmem>>
      %dma_wait3A_1213 = tpu.memref_squeeze %dma_wait3A_1212 : memref<1x128x64xf32, #tpu.memory_space<vmem>> -> memref<128x64xf32, #tpu.memory_space<vmem>>
      %dma_wait3A_1214 = arith.constant 0 : i32
      %dma_wait3A_1215 = arith.constant 0 : i32
      %dma_wait3A_1216 = tpu.memref_slice %arg2[%dma_wait3A_1214, %dma_wait3A_1215] : memref<100000x64xf32, #tpu.memory_space<hbm>> -> memref<128x64xf32, #tpu.memory_space<hbm>>
      %dma_wait3A_1217 = arith.constant 0 : i32
      %dma_wait3A_1218 = arith.constant 0 : i32
      %dma_wait3A_1219 = tpu.memref_slice %arg6[%dma_wait3A_1209, %dma_wait3A_1217, %dma_wait3A_1218] : memref<8x128x64xf32, #tpu.memory_space<vmem>> -> memref<1x128x64xf32, #tpu.memory_space<vmem>>
      %dma_wait3A_1220 = tpu.memref_squeeze %dma_wait3A_1219 : memref<1x128x64xf32, #tpu.memory_space<vmem>> -> memref<128x64xf32, #tpu.memory_space<vmem>>
      %dma_wait3A_1221 = arith.constant 0 : i32
      %dma_wait3A_1222 = arith.constant 0 : i32
      %dma_wait3A_1223 = tpu.memref_slice %arg2[%dma_wait3A_1221, %dma_wait3A_1222] : memref<100000x64xf32, #tpu.memory_space<hbm>> -> memref<128x64xf32, #tpu.memory_space<hbm>>
      tpu.wait_dma2 semaphore(%arg14 : memref<!tpu.dma_semaphore, #tpu.memory_space<semaphore_mem>>) src(%dma_wait3A_1223 : memref<128x64xf32, #tpu.memory_space<hbm>>) dst(%dma_wait3A_1220 : memref<128x64xf32, #tpu.memory_space<vmem>>)
      %mul3A_1224 = arith.constant 128 : i32
      %mul3A_1225 = arith.muli %select_n3A_1208, %mul3A_1224 : i32
      %add3A_1226 = arith.addi %mul3A_2, %mul3A_1225 : i32
      %dma_start3A_1227 = arith.constant 7 : i32
      %dma_start3A_1228 = arith.constant 0 : i32
      %dma_start3A_1229 = arith.constant 0 : i32
      %dma_start3A_1230 = tpu.memref_slice %arg6[%dma_start3A_1227, %dma_start3A_1228, %dma_start3A_1229] : memref<8x128x64xf32, #tpu.memory_space<vmem>> -> memref<1x128x64xf32, #tpu.memory_space<vmem>>
      %dma_start3A_1231 = tpu.memref_squeeze %dma_start3A_1230 : memref<1x128x64xf32, #tpu.memory_space<vmem>> -> memref<128x64xf32, #tpu.memory_space<vmem>>
      %dma_start3A_1232 = arith.constant 0 : i32
      %dma_start3A_1233 = tpu.memref_slice %arg4[%add3A_1226, %select_n3A_1192, %dma_start3A_1232] : memref<16384x50x64xf32, #tpu.memory_space<hbm>> -> memref<128x1x64xf32, #tpu.memory_space<hbm>>
      %dma_start3A_1234 = tpu.memref_squeeze %dma_start3A_1233 : memref<128x1x64xf32, #tpu.memory_space<hbm>> -> memref<128x64xf32, #tpu.memory_space<hbm>>
      %dma_start3A_1235 = arith.constant 0 : i32
      %dma_start3A_1236 = tpu.memref_slice %arg4[%add3A_1226, %select_n3A_1192, %dma_start3A_1235] : memref<16384x50x64xf32, #tpu.memory_space<hbm>> -> memref<128x1x64xf32, #tpu.memory_space<hbm>>
      %dma_start3A_1237 = tpu.memref_squeeze %dma_start3A_1236 : memref<128x1x64xf32, #tpu.memory_space<hbm>> -> memref<128x64xf32, #tpu.memory_space<hbm>>
      %dma_start3A_1238 = arith.constant 0 : i32
      %dma_start3A_1239 = arith.constant 0 : i32
      %dma_start3A_1240 = tpu.memref_slice %arg6[%dma_start3A_1227, %dma_start3A_1238, %dma_start3A_1239] : memref<8x128x64xf32, #tpu.memory_space<vmem>> -> memref<1x128x64xf32, #tpu.memory_space<vmem>>
      %dma_start3A_1241 = tpu.memref_squeeze %dma_start3A_1240 : memref<1x128x64xf32, #tpu.memory_space<vmem>> -> memref<128x64xf32, #tpu.memory_space<vmem>>
      tpu.enqueue_dma source(%dma_start3A_1241 : memref<128x64xf32, #tpu.memory_space<vmem>>) target(%dma_start3A_1237 : memref<128x64xf32, #tpu.memory_space<hbm>>) target_semaphore(%arg22 : memref<!tpu.dma_semaphore, #tpu.memory_space<semaphore_mem>>)
    }
    %scan3A_7 = arith.constant 25 : i32
    %dma_wait3A = arith.constant 0 : i32
    %dma_wait3A_8 = arith.constant 0 : i32
    %dma_wait3A_9 = arith.constant 0 : i32
    %dma_wait3A_10 = arith.constant 0 : i32
    %dma_wait3A_11 = tpu.memref_slice %arg6[%dma_wait3A, %dma_wait3A_9, %dma_wait3A_10] : memref<8x128x64xf32, #tpu.memory_space<vmem>> -> memref<1x128x64xf32, #tpu.memory_space<vmem>>
    %dma_wait3A_12 = tpu.memref_squeeze %dma_wait3A_11 : memref<1x128x64xf32, #tpu.memory_space<vmem>> -> memref<128x64xf32, #tpu.memory_space<vmem>>
    %dma_wait3A_13 = arith.constant 0 : i32
    %dma_wait3A_14 = arith.constant 0 : i32
    %dma_wait3A_15 = tpu.memref_slice %arg4[%dma_wait3A_13, %dma_wait3A_8, %dma_wait3A_14] : memref<16384x50x64xf32, #tpu.memory_space<hbm>> -> memref<128x1x64xf32, #tpu.memory_space<hbm>>
    %dma_wait3A_16 = tpu.memref_squeeze %dma_wait3A_15 : memref<128x1x64xf32, #tpu.memory_space<hbm>> -> memref<128x64xf32, #tpu.memory_space<hbm>>
    %dma_wait3A_17 = arith.constant 0 : i32
    %dma_wait3A_18 = arith.constant 0 : i32
    %dma_wait3A_19 = tpu.memref_slice %arg4[%dma_wait3A_17, %dma_wait3A_8, %dma_wait3A_18] : memref<16384x50x64xf32, #tpu.memory_space<hbm>> -> memref<128x1x64xf32, #tpu.memory_space<hbm>>
    %dma_wait3A_20 = tpu.memref_squeeze %dma_wait3A_19 : memref<128x1x64xf32, #tpu.memory_space<hbm>> -> memref<128x64xf32, #tpu.memory_space<hbm>>
    %dma_wait3A_21 = arith.constant 0 : i32
    %dma_wait3A_22 = arith.constant 0 : i32
    %dma_wait3A_23 = tpu.memref_slice %arg6[%dma_wait3A, %dma_wait3A_21, %dma_wait3A_22] : memref<8x128x64xf32, #tpu.memory_space<vmem>> -> memref<1x128x64xf32, #tpu.memory_space<vmem>>
    %dma_wait3A_24 = tpu.memref_squeeze %dma_wait3A_23 : memref<1x128x64xf32, #tpu.memory_space<vmem>> -> memref<128x64xf32, #tpu.memory_space<vmem>>
    tpu.wait_dma2 semaphore(%arg15 : memref<!tpu.dma_semaphore, #tpu.memory_space<semaphore_mem>>) src(%dma_wait3A_24 : memref<128x64xf32, #tpu.memory_space<vmem>>) dst(%dma_wait3A_20 : memref<128x64xf32, #tpu.memory_space<hbm>>)
    %dma_wait3A_25 = arith.constant 1 : i32
    %dma_wait3A_26 = arith.constant 0 : i32
    %dma_wait3A_27 = arith.constant 0 : i32
    %dma_wait3A_28 = arith.constant 0 : i32
    %dma_wait3A_29 = tpu.memref_slice %arg6[%dma_wait3A_25, %dma_wait3A_27, %dma_wait3A_28] : memref<8x128x64xf32, #tpu.memory_space<vmem>> -> memref<1x128x64xf32, #tpu.memory_space<vmem>>
    %dma_wait3A_30 = tpu.memref_squeeze %dma_wait3A_29 : memref<1x128x64xf32, #tpu.memory_space<vmem>> -> memref<128x64xf32, #tpu.memory_space<vmem>>
    %dma_wait3A_31 = arith.constant 0 : i32
    %dma_wait3A_32 = arith.constant 0 : i32
    %dma_wait3A_33 = tpu.memref_slice %arg4[%dma_wait3A_31, %dma_wait3A_26, %dma_wait3A_32] : memref<16384x50x64xf32, #tpu.memory_space<hbm>> -> memref<128x1x64xf32, #tpu.memory_space<hbm>>
    %dma_wait3A_34 = tpu.memref_squeeze %dma_wait3A_33 : memref<128x1x64xf32, #tpu.memory_space<hbm>> -> memref<128x64xf32, #tpu.memory_space<hbm>>
    %dma_wait3A_35 = arith.constant 0 : i32
    %dma_wait3A_36 = arith.constant 0 : i32
    %dma_wait3A_37 = tpu.memref_slice %arg4[%dma_wait3A_35, %dma_wait3A_26, %dma_wait3A_36] : memref<16384x50x64xf32, #tpu.memory_space<hbm>> -> memref<128x1x64xf32, #tpu.memory_space<hbm>>
    %dma_wait3A_38 = tpu.memref_squeeze %dma_wait3A_37 : memref<128x1x64xf32, #tpu.memory_space<hbm>> -> memref<128x64xf32, #tpu.memory_space<hbm>>
    %dma_wait3A_39 = arith.constant 0 : i32
    %dma_wait3A_40 = arith.constant 0 : i32
    %dma_wait3A_41 = tpu.memref_slice %arg6[%dma_wait3A_25, %dma_wait3A_39, %dma_wait3A_40] : memref<8x128x64xf32, #tpu.memory_space<vmem>> -> memref<1x128x64xf32, #tpu.memory_space<vmem>>
    %dma_wait3A_42 = tpu.memref_squeeze %dma_wait3A_41 : memref<1x128x64xf32, #tpu.memory_space<vmem>> -> memref<128x64xf32, #tpu.memory_space<vmem>>
    tpu.wait_dma2 semaphore(%arg16 : memref<!tpu.dma_semaphore, #tpu.memory_space<semaphore_mem>>) src(%dma_wait3A_42 : memref<128x64xf32, #tpu.memory_space<vmem>>) dst(%dma_wait3A_38 : memref<128x64xf32, #tpu.memory_space<hbm>>)
    %dma_wait3A_43 = arith.constant 2 : i32
    %dma_wait3A_44 = arith.constant 0 : i32
    %dma_wait3A_45 = arith.constant 0 : i32
    %dma_wait3A_46 = arith.constant 0 : i32
    %dma_wait3A_47 = tpu.memref_slice %arg6[%dma_wait3A_43, %dma_wait3A_45, %dma_wait3A_46] : memref<8x128x64xf32, #tpu.memory_space<vmem>> -> memref<1x128x64xf32, #tpu.memory_space<vmem>>
    %dma_wait3A_48 = tpu.memref_squeeze %dma_wait3A_47 : memref<1x128x64xf32, #tpu.memory_space<vmem>> -> memref<128x64xf32, #tpu.memory_space<vmem>>
    %dma_wait3A_49 = arith.constant 0 : i32
    %dma_wait3A_50 = arith.constant 0 : i32
    %dma_wait3A_51 = tpu.memref_slice %arg4[%dma_wait3A_49, %dma_wait3A_44, %dma_wait3A_50] : memref<16384x50x64xf32, #tpu.memory_space<hbm>> -> memref<128x1x64xf32, #tpu.memory_space<hbm>>
    %dma_wait3A_52 = tpu.memref_squeeze %dma_wait3A_51 : memref<128x1x64xf32, #tpu.memory_space<hbm>> -> memref<128x64xf32, #tpu.memory_space<hbm>>
    %dma_wait3A_53 = arith.constant 0 : i32
    %dma_wait3A_54 = arith.constant 0 : i32
    %dma_wait3A_55 = tpu.memref_slice %arg4[%dma_wait3A_53, %dma_wait3A_44, %dma_wait3A_54] : memref<16384x50x64xf32, #tpu.memory_space<hbm>> -> memref<128x1x64xf32, #tpu.memory_space<hbm>>
    %dma_wait3A_56 = tpu.memref_squeeze %dma_wait3A_55 : memref<128x1x64xf32, #tpu.memory_space<hbm>> -> memref<128x64xf32, #tpu.memory_space<hbm>>
    %dma_wait3A_57 = arith.constant 0 : i32
    %dma_wait3A_58 = arith.constant 0 : i32
    %dma_wait3A_59 = tpu.memref_slice %arg6[%dma_wait3A_43, %dma_wait3A_57, %dma_wait3A_58] : memref<8x128x64xf32, #tpu.memory_space<vmem>> -> memref<1x128x64xf32, #tpu.memory_space<vmem>>
    %dma_wait3A_60 = tpu.memref_squeeze %dma_wait3A_59 : memref<1x128x64xf32, #tpu.memory_space<vmem>> -> memref<128x64xf32, #tpu.memory_space<vmem>>
    tpu.wait_dma2 semaphore(%arg17 : memref<!tpu.dma_semaphore, #tpu.memory_space<semaphore_mem>>) src(%dma_wait3A_60 : memref<128x64xf32, #tpu.memory_space<vmem>>) dst(%dma_wait3A_56 : memref<128x64xf32, #tpu.memory_space<hbm>>)
    %dma_wait3A_61 = arith.constant 3 : i32
    %dma_wait3A_62 = arith.constant 0 : i32
    %dma_wait3A_63 = arith.constant 0 : i32
    %dma_wait3A_64 = arith.constant 0 : i32
    %dma_wait3A_65 = tpu.memref_slice %arg6[%dma_wait3A_61, %dma_wait3A_63, %dma_wait3A_64] : memref<8x128x64xf32, #tpu.memory_space<vmem>> -> memref<1x128x64xf32, #tpu.memory_space<vmem>>
    %dma_wait3A_66 = tpu.memref_squeeze %dma_wait3A_65 : memref<1x128x64xf32, #tpu.memory_space<vmem>> -> memref<128x64xf32, #tpu.memory_space<vmem>>
    %dma_wait3A_67 = arith.constant 0 : i32
    %dma_wait3A_68 = arith.constant 0 : i32
    %dma_wait3A_69 = tpu.memref_slice %arg4[%dma_wait3A_67, %dma_wait3A_62, %dma_wait3A_68] : memref<16384x50x64xf32, #tpu.memory_space<hbm>> -> memref<128x1x64xf32, #tpu.memory_space<hbm>>
    %dma_wait3A_70 = tpu.memref_squeeze %dma_wait3A_69 : memref<128x1x64xf32, #tpu.memory_space<hbm>> -> memref<128x64xf32, #tpu.memory_space<hbm>>
    %dma_wait3A_71 = arith.constant 0 : i32
    %dma_wait3A_72 = arith.constant 0 : i32
    %dma_wait3A_73 = tpu.memref_slice %arg4[%dma_wait3A_71, %dma_wait3A_62, %dma_wait3A_72] : memref<16384x50x64xf32, #tpu.memory_space<hbm>> -> memref<128x1x64xf32, #tpu.memory_space<hbm>>
    %dma_wait3A_74 = tpu.memref_squeeze %dma_wait3A_73 : memref<128x1x64xf32, #tpu.memory_space<hbm>> -> memref<128x64xf32, #tpu.memory_space<hbm>>
    %dma_wait3A_75 = arith.constant 0 : i32
    %dma_wait3A_76 = arith.constant 0 : i32
    %dma_wait3A_77 = tpu.memref_slice %arg6[%dma_wait3A_61, %dma_wait3A_75, %dma_wait3A_76] : memref<8x128x64xf32, #tpu.memory_space<vmem>> -> memref<1x128x64xf32, #tpu.memory_space<vmem>>
    %dma_wait3A_78 = tpu.memref_squeeze %dma_wait3A_77 : memref<1x128x64xf32, #tpu.memory_space<vmem>> -> memref<128x64xf32, #tpu.memory_space<vmem>>
    tpu.wait_dma2 semaphore(%arg18 : memref<!tpu.dma_semaphore, #tpu.memory_space<semaphore_mem>>) src(%dma_wait3A_78 : memref<128x64xf32, #tpu.memory_space<vmem>>) dst(%dma_wait3A_74 : memref<128x64xf32, #tpu.memory_space<hbm>>)
    %dma_wait3A_79 = arith.constant 4 : i32
    %dma_wait3A_80 = arith.constant 0 : i32
    %dma_wait3A_81 = arith.constant 0 : i32
    %dma_wait3A_82 = arith.constant 0 : i32
    %dma_wait3A_83 = tpu.memref_slice %arg6[%dma_wait3A_79, %dma_wait3A_81, %dma_wait3A_82] : memref<8x128x64xf32, #tpu.memory_space<vmem>> -> memref<1x128x64xf32, #tpu.memory_space<vmem>>
    %dma_wait3A_84 = tpu.memref_squeeze %dma_wait3A_83 : memref<1x128x64xf32, #tpu.memory_space<vmem>> -> memref<128x64xf32, #tpu.memory_space<vmem>>
    %dma_wait3A_85 = arith.constant 0 : i32
    %dma_wait3A_86 = arith.constant 0 : i32
    %dma_wait3A_87 = tpu.memref_slice %arg4[%dma_wait3A_85, %dma_wait3A_80, %dma_wait3A_86] : memref<16384x50x64xf32, #tpu.memory_space<hbm>> -> memref<128x1x64xf32, #tpu.memory_space<hbm>>
    %dma_wait3A_88 = tpu.memref_squeeze %dma_wait3A_87 : memref<128x1x64xf32, #tpu.memory_space<hbm>> -> memref<128x64xf32, #tpu.memory_space<hbm>>
    %dma_wait3A_89 = arith.constant 0 : i32
    %dma_wait3A_90 = arith.constant 0 : i32
    %dma_wait3A_91 = tpu.memref_slice %arg4[%dma_wait3A_89, %dma_wait3A_80, %dma_wait3A_90] : memref<16384x50x64xf32, #tpu.memory_space<hbm>> -> memref<128x1x64xf32, #tpu.memory_space<hbm>>
    %dma_wait3A_92 = tpu.memref_squeeze %dma_wait3A_91 : memref<128x1x64xf32, #tpu.memory_space<hbm>> -> memref<128x64xf32, #tpu.memory_space<hbm>>
    %dma_wait3A_93 = arith.constant 0 : i32
    %dma_wait3A_94 = arith.constant 0 : i32
    %dma_wait3A_95 = tpu.memref_slice %arg6[%dma_wait3A_79, %dma_wait3A_93, %dma_wait3A_94] : memref<8x128x64xf32, #tpu.memory_space<vmem>> -> memref<1x128x64xf32, #tpu.memory_space<vmem>>
    %dma_wait3A_96 = tpu.memref_squeeze %dma_wait3A_95 : memref<1x128x64xf32, #tpu.memory_space<vmem>> -> memref<128x64xf32, #tpu.memory_space<vmem>>
    tpu.wait_dma2 semaphore(%arg19 : memref<!tpu.dma_semaphore, #tpu.memory_space<semaphore_mem>>) src(%dma_wait3A_96 : memref<128x64xf32, #tpu.memory_space<vmem>>) dst(%dma_wait3A_92 : memref<128x64xf32, #tpu.memory_space<hbm>>)
    %dma_wait3A_97 = arith.constant 5 : i32
    %dma_wait3A_98 = arith.constant 0 : i32
    %dma_wait3A_99 = arith.constant 0 : i32
    %dma_wait3A_100 = arith.constant 0 : i32
    %dma_wait3A_101 = tpu.memref_slice %arg6[%dma_wait3A_97, %dma_wait3A_99, %dma_wait3A_100] : memref<8x128x64xf32, #tpu.memory_space<vmem>> -> memref<1x128x64xf32, #tpu.memory_space<vmem>>
    %dma_wait3A_102 = tpu.memref_squeeze %dma_wait3A_101 : memref<1x128x64xf32, #tpu.memory_space<vmem>> -> memref<128x64xf32, #tpu.memory_space<vmem>>
    %dma_wait3A_103 = arith.constant 0 : i32
    %dma_wait3A_104 = arith.constant 0 : i32
    %dma_wait3A_105 = tpu.memref_slice %arg4[%dma_wait3A_103, %dma_wait3A_98, %dma_wait3A_104] : memref<16384x50x64xf32, #tpu.memory_space<hbm>> -> memref<128x1x64xf32, #tpu.memory_space<hbm>>
    %dma_wait3A_106 = tpu.memref_squeeze %dma_wait3A_105 : memref<128x1x64xf32, #tpu.memory_space<hbm>> -> memref<128x64xf32, #tpu.memory_space<hbm>>
    %dma_wait3A_107 = arith.constant 0 : i32
    %dma_wait3A_108 = arith.constant 0 : i32
    %dma_wait3A_109 = tpu.memref_slice %arg4[%dma_wait3A_107, %dma_wait3A_98, %dma_wait3A_108] : memref<16384x50x64xf32, #tpu.memory_space<hbm>> -> memref<128x1x64xf32, #tpu.memory_space<hbm>>
    %dma_wait3A_110 = tpu.memref_squeeze %dma_wait3A_109 : memref<128x1x64xf32, #tpu.memory_space<hbm>> -> memref<128x64xf32, #tpu.memory_space<hbm>>
    %dma_wait3A_111 = arith.constant 0 : i32
    %dma_wait3A_112 = arith.constant 0 : i32
    %dma_wait3A_113 = tpu.memref_slice %arg6[%dma_wait3A_97, %dma_wait3A_111, %dma_wait3A_112] : memref<8x128x64xf32, #tpu.memory_space<vmem>> -> memref<1x128x64xf32, #tpu.memory_space<vmem>>
    %dma_wait3A_114 = tpu.memref_squeeze %dma_wait3A_113 : memref<1x128x64xf32, #tpu.memory_space<vmem>> -> memref<128x64xf32, #tpu.memory_space<vmem>>
    tpu.wait_dma2 semaphore(%arg20 : memref<!tpu.dma_semaphore, #tpu.memory_space<semaphore_mem>>) src(%dma_wait3A_114 : memref<128x64xf32, #tpu.memory_space<vmem>>) dst(%dma_wait3A_110 : memref<128x64xf32, #tpu.memory_space<hbm>>)
    %dma_wait3A_115 = arith.constant 6 : i32
    %dma_wait3A_116 = arith.constant 0 : i32
    %dma_wait3A_117 = arith.constant 0 : i32
    %dma_wait3A_118 = arith.constant 0 : i32
    %dma_wait3A_119 = tpu.memref_slice %arg6[%dma_wait3A_115, %dma_wait3A_117, %dma_wait3A_118] : memref<8x128x64xf32, #tpu.memory_space<vmem>> -> memref<1x128x64xf32, #tpu.memory_space<vmem>>
    %dma_wait3A_120 = tpu.memref_squeeze %dma_wait3A_119 : memref<1x128x64xf32, #tpu.memory_space<vmem>> -> memref<128x64xf32, #tpu.memory_space<vmem>>
    %dma_wait3A_121 = arith.constant 0 : i32
    %dma_wait3A_122 = arith.constant 0 : i32
    %dma_wait3A_123 = tpu.memref_slice %arg4[%dma_wait3A_121, %dma_wait3A_116, %dma_wait3A_122] : memref<16384x50x64xf32, #tpu.memory_space<hbm>> -> memref<128x1x64xf32, #tpu.memory_space<hbm>>
    %dma_wait3A_124 = tpu.memref_squeeze %dma_wait3A_123 : memref<128x1x64xf32, #tpu.memory_space<hbm>> -> memref<128x64xf32, #tpu.memory_space<hbm>>
    %dma_wait3A_125 = arith.constant 0 : i32
    %dma_wait3A_126 = arith.constant 0 : i32
    %dma_wait3A_127 = tpu.memref_slice %arg4[%dma_wait3A_125, %dma_wait3A_116, %dma_wait3A_126] : memref<16384x50x64xf32, #tpu.memory_space<hbm>> -> memref<128x1x64xf32, #tpu.memory_space<hbm>>
    %dma_wait3A_128 = tpu.memref_squeeze %dma_wait3A_127 : memref<128x1x64xf32, #tpu.memory_space<hbm>> -> memref<128x64xf32, #tpu.memory_space<hbm>>
    %dma_wait3A_129 = arith.constant 0 : i32
    %dma_wait3A_130 = arith.constant 0 : i32
    %dma_wait3A_131 = tpu.memref_slice %arg6[%dma_wait3A_115, %dma_wait3A_129, %dma_wait3A_130] : memref<8x128x64xf32, #tpu.memory_space<vmem>> -> memref<1x128x64xf32, #tpu.memory_space<vmem>>
    %dma_wait3A_132 = tpu.memref_squeeze %dma_wait3A_131 : memref<1x128x64xf32, #tpu.memory_space<vmem>> -> memref<128x64xf32, #tpu.memory_space<vmem>>
    tpu.wait_dma2 semaphore(%arg21 : memref<!tpu.dma_semaphore, #tpu.memory_space<semaphore_mem>>) src(%dma_wait3A_132 : memref<128x64xf32, #tpu.memory_space<vmem>>) dst(%dma_wait3A_128 : memref<128x64xf32, #tpu.memory_space<hbm>>)
    %dma_wait3A_133 = arith.constant 7 : i32
    %dma_wait3A_134 = arith.constant 0 : i32
    %dma_wait3A_135 = arith.constant 0 : i32
    %dma_wait3A_136 = arith.constant 0 : i32
    %dma_wait3A_137 = tpu.memref_slice %arg6[%dma_wait3A_133, %dma_wait3A_135, %dma_wait3A_136] : memref<8x128x64xf32, #tpu.memory_space<vmem>> -> memref<1x128x64xf32, #tpu.memory_space<vmem>>
    %dma_wait3A_138 = tpu.memref_squeeze %dma_wait3A_137 : memref<1x128x64xf32, #tpu.memory_space<vmem>> -> memref<128x64xf32, #tpu.memory_space<vmem>>
    %dma_wait3A_139 = arith.constant 0 : i32
    %dma_wait3A_140 = arith.constant 0 : i32
    %dma_wait3A_141 = tpu.memref_slice %arg4[%dma_wait3A_139, %dma_wait3A_134, %dma_wait3A_140] : memref<16384x50x64xf32, #tpu.memory_space<hbm>> -> memref<128x1x64xf32, #tpu.memory_space<hbm>>
    %dma_wait3A_142 = tpu.memref_squeeze %dma_wait3A_141 : memref<128x1x64xf32, #tpu.memory_space<hbm>> -> memref<128x64xf32, #tpu.memory_space<hbm>>
    %dma_wait3A_143 = arith.constant 0 : i32
    %dma_wait3A_144 = arith.constant 0 : i32
    %dma_wait3A_145 = tpu.memref_slice %arg4[%dma_wait3A_143, %dma_wait3A_134, %dma_wait3A_144] : memref<16384x50x64xf32, #tpu.memory_space<hbm>> -> memref<128x1x64xf32, #tpu.memory_space<hbm>>
    %dma_wait3A_146 = tpu.memref_squeeze %dma_wait3A_145 : memref<128x1x64xf32, #tpu.memory_space<hbm>> -> memref<128x64xf32, #tpu.memory_space<hbm>>
    %dma_wait3A_147 = arith.constant 0 : i32
    %dma_wait3A_148 = arith.constant 0 : i32
    %dma_wait3A_149 = tpu.memref_slice %arg6[%dma_wait3A_133, %dma_wait3A_147, %dma_wait3A_148] : memref<8x128x64xf32, #tpu.memory_space<vmem>> -> memref<1x128x64xf32, #tpu.memory_space<vmem>>
    %dma_wait3A_150 = tpu.memref_squeeze %dma_wait3A_149 : memref<1x128x64xf32, #tpu.memory_space<vmem>> -> memref<128x64xf32, #tpu.memory_space<vmem>>
    tpu.wait_dma2 semaphore(%arg22 : memref<!tpu.dma_semaphore, #tpu.memory_space<semaphore_mem>>) src(%dma_wait3A_150 : memref<128x64xf32, #tpu.memory_space<vmem>>) dst(%dma_wait3A_146 : memref<128x64xf32, #tpu.memory_space<hbm>>)
    return
  }
}

</mosaic_0001>

<sc_bundles>
// kernel: _gather.3.cloned.1.call-start
scs
__scs_entry_jumppad:
0x0: {  	(pc) =	sbr.rel $0x88, $3  }
0x1: {  	(tag) =	ssettag $0x0;
	lr =	simm.s32 $0x1  }
0x2: {  	[smem:$0x3F9F] =	sst lr;
	_ =	strace $0xD0000000  }
0x3: {  	_ = 	snop  }
0x4: {  	_ = 	snop  }
0x5: {  	_ = 	snop  }
0x6: {  	_ = 	snop  }
0x7: {  	_ = 	snop  }
__scs_overlays_trampoline_lowered:
0x8: {  	[smem:$0x3FAE] =	sst s0  }
0x9: {  	[smem:$0x3FAF] =	sst s1  }
0xa: {  	[smem:$0x3FB0] =	sst s2  }
0xb: {  	[smem:$0x3FB1] =	sst s3  }
0xc: {  	[smem:$0x3FB2] =	sst s4  }
0xd: {  	[smem:$0x3FB3] =	sst s5  }
0xe: {  	[smem:$0x3FB4] =	sst s6  }
0xf: {  	[smem:$0x3FB5] =	sst s7  }
0x10: {  	[smem:$0x3FB6] =	sst s8  }
0x11: {  	[smem:$0x3FB7] =	sst s9;
	s0 =	simm.s32 @!p0 $0x0  }
0x12: {  	s1 =	sld [smem:$0x3F9D];
	s0 =	simm.s32 @p0 $0x1  }
0x13: {  	[smem:$0x3FB8] =	sst s0;
	s0 =	simm.s32 @!p1 $0x0  }
0x14: {  	s2 =	sld [smem:$0x3F9C];
	s0 =	simm.s32 @p1 $0x1  }
0x15: {  	[smem:$0x3FB9] =	sst s0;
	s0 =	simm.s32 @!p2 $0x0  }
0x16: {  	s3 =	sld [smem:$0x3FDB];
	s0 =	simm.s32 @p2 $0x1  }
0x17: {  	s4 =	simm.s32 $0x1BF5;
	[smem:$0x3FBB] =	sst s0  }
0x18: {  	s0 =	sld [smem:$0x3F9E];
	_ =	swait.ge [sflag:s4], $0x0  }
0x19: {  	s7 =	sld [smem:$0x3F9F]  }
0x1a: {  	s8 =	sadd.s32 $0xFFFFE003, lr  }
0x1b: {  	s9 =	sadd.s32 $0xFFFFFEF7, lr;
	s5 =	simm.s32 $0xFFFFFFFF;
	p2 =	slt.u32 s8, $0xFFFFF086  }
0x1c: {  	p1 =	slt.u32 s9, $0xF7A;
	s5 =	simm.s32 @!p2 $0x0  }
0x1d: {  	s5 =	simm.s32 @p1 $0x1;
	p0 =	seq.s32 s7, s2  }
0x1e: {  	s7 =	smul.u32 @!p0 $0xF7A, s2;
	p2 =	seq.s32 @!p0 s5, $0x0  }
0x1f: {  	s9 =	smul.u32 $0xF7A, s1;
	s8 =	simm.s32 @!p0 $0x1BF5;
	p2 =	por !p2, p0  }
0x20: {  	[sflag:s8] =	ssyncset.s32 @!p0 $0xFFFFF086;
	s6 =	sadd.s32 @!p0 s3, s7;
	s7 =	simm.s32 @!p0 $0x108  }
0x21: {  	s3 =	sadd.s32 s3, s9;
	s6 =	sadd.s32 @!p0 $0x88, s6;
	s7 =	simm.s32 @p2 $0x1082  }
0x22: {  	[simem:s7], [sflag:s8] =	dma.local @!p0 [hbm:s6], $0xF7A  }
0x23: {  	s9 =	sor.u32 $0xD0000000, s2;
	s6 =	simm.s32 $0x108;
	_ =	swait.ge @!p0 [sflag:s8], $0x0  }
0x24: {  	s3 =	sadd.s32 $0x88, s3;
	s6 =	simm.s32 @!p1 $0x1082;
	[sflag:s4] =	ssyncset.s32 $0xFFFFF086  }
0x25: {  	[simem:s6], [sflag:s4] =	dma.local [hbm:s3], $0xF7A  }
0x26: {  	[smem:$0x3F9F] =	sst s1;
	(tag) =	ssettag s2;
	_ =	strace s9  }
0x27: {  	s1 =	sld [smem:$0x3FAF]  }
0x28: {  	s2 =	sld [smem:$0x3FB0]  }
0x29: {  	s4 =	sld [smem:$0x3FB2]  }
0x2a: {  	p0 =	seq.s32 s5, $0x0;
	s5 =	sld [smem:$0x3FB3]  }
0x2b: {  	s6 =	sld [smem:$0x3FB4]  }
0x2c: {  	s7 =	sld [smem:$0x3FB5]  }
0x2d: {  	s3 =	simm.s32 $0x108;
	s8 =	sld [smem:$0x3FB6]  }
0x2e: {  	s3 =	simm.s32 @!p0 $0x1082;
	s9 =	sld [smem:$0x3FB7]  }
0x2f: {  	lr =	sadd.s32 s0, s3;
	s0 =	sld [smem:$0x3FAE]  }
0x30: {  	s3 =	sld [smem:$0x3FB1]  }
0x31: {  	[smem:$0x3FBA] =	sst s10  }
0x32: {  	s10 =	sld [smem:$0x3FB8];
	_ =	sdelay $0x3  }
0x33: {  	p0 =	seq.s32 s10, $0x1;
	s10 =	sld [smem:$0x3FBA];
	_ =	sdelay $0x3  }
0x34: {  	[smem:$0x3FBA] =	sst s10  }
0x35: {  	s10 =	sld [smem:$0x3FB9];
	_ =	sdelay $0x3  }
0x36: {  	p1 =	seq.s32 s10, $0x1;
	s10 =	sld [smem:$0x3FBA];
	_ =	sdelay $0x3  }
0x37: {  	[smem:$0x3FBA] =	sst s10  }
0x38: {  	s10 =	sld [smem:$0x3FBB]  }
0x39: {  	_ = 	snop;
	(pc) =	sbr.ind lr, $3  }
0x3a: {  	_ = 	snop  }
0x3b: {  	_ = 	snop  }
0x3c: {  	p2 =	seq.s32 s10, $0x1;
	s10 =	sld [smem:$0x3FBA]  }
0x3d: {  	_ =	shalt  }
0x3e: {  	_ =	shalt  }
0x3f: {  	_ =	shalt  }
0x40: {  	_ =	shalt  }
0x41: {  	_ =	shalt  }
0x42: {  	_ =	shalt  }
0x43: {  	_ =	shalt  }
0x44: {  	_ =	shalt  }
0x45: {  	_ =	shalt  }
0x46: {  	_ =	shalt  }
0x47: {  	_ =	shalt  }
0x48: {  	_ =	shalt  }
0x49: {  	_ =	shalt  }
0x4a: {  	_ =	shalt  }
0x4b: {  	_ =	shalt  }
0x4c: {  	_ =	shalt  }
0x4d: {  	_ =	shalt  }
0x4e: {  	_ =	shalt  }
0x4f: {  	_ =	shalt  }
0x50: {  	_ =	shalt  }
0x51: {  	_ =	shalt  }
0x52: {  	_ =	shalt  }
0x53: {  	_ =	shalt  }
0x54: {  	_ =	shalt  }
0x55: {  	_ =	shalt  }
0x56: {  	_ =	shalt  }
0x57: {  	_ =	shalt  }
0x58: {  	_ =	shalt  }
0x59: {  	_ =	shalt  }
0x5a: {  	_ =	shalt  }
0x5b: {  	_ =	shalt  }
0x5c: {  	_ =	shalt  }
0x5d: {  	_ =	shalt  }
0x5e: {  	_ =	shalt  }
0x5f: {  	_ =	shalt  }
0x60: {  	_ =	shalt  }
0x61: {  	_ =	shalt  }
0x62: {  	_ =	shalt  }
0x63: {  	_ =	shalt  }
0x64: {  	_ =	shalt  }
0x65: {  	_ =	shalt  }
0x66: {  	_ =	shalt  }
0x67: {  	_ =	shalt  }
0x68: {  	_ =	shalt  }
0x69: {  	_ =	shalt  }
0x6a: {  	_ =	shalt  }
0x6b: {  	_ =	shalt  }
0x6c: {  	_ =	shalt  }
0x6d: {  	_ =	shalt  }
0x6e: {  	_ =	shalt  }
0x6f: {  	_ =	shalt  }
0x70: {  	_ =	shalt  }
0x71: {  	_ =	shalt  }
0x72: {  	_ =	shalt  }
0x73: {  	_ =	shalt  }
0x74: {  	_ =	shalt  }
0x75: {  	_ =	shalt  }
0x76: {  	_ =	shalt  }
0x77: {  	_ =	shalt  }
0x78: {  	_ =	shalt  }
0x79: {  	_ =	shalt  }
0x7a: {  	_ =	shalt  }
0x7b: {  	_ =	shalt  }
0x7c: {  	_ =	shalt  }
0x7d: {  	_ =	shalt  }
0x7e: {  	_ =	shalt  }
0x7f: {  	_ =	shalt  }
0x80: {  	_ =	shalt  }
0x81: {  	_ =	shalt  }
0x82: {  	_ =	shalt  }
0x83: {  	_ =	shalt  }
0x84: {  	_ =	shalt  }
0x85: {  	_ =	shalt  }
0x86: {  	_ =	shalt  }
0x87: {  	_ =	shalt  }
.Lfunc_end0:
.L_simem_size_0:
called_computation.1_lowered:
.L_overlay_start_0:
0x88: {  	s2 =	sld [smem:$0x3FD9]  }
0x89: {  	s3 =	sld [smem:$0x3FFE];
	_ =	sdelay $0x1  }
0x8a: {  	s1 =	srdreg.scid  }
0x8b: {  	s0 =	sand.u32 $0x1, s1  }
0x8c: {  	s17 =	sshll.u32 s0, $0xA;
	s2 =	sadd.s32 s3, s2  }
0x8d: {  	s2 =	sadd.s32 s2, s17  }
0x8e: {  	[smem:$0x3FC6] =	sst s2  }
0x8f: {  	_ = 	snop  }
0x90: {  	s2 =	sld [smem:$0x3FD0];
	(tm) =	ssettm $0x1  }
0x91: {  	s18 =	sld [smem:$0x3FFB];
	_ =	sdelay $0x3  }
0x92: {  	_ =	strace s18  }
0x93: {  	s3 =	sld [smem:$0x3FFC];
	_ =	sdelay $0x3  }
0x94: {  	_ =	strace s3  }
0x95: {  	s3 =	sld [smem:$0x3FFD];
	_ =	sdelay $0x3  }
0x96: {  	_ =	strace s3  }
0x97: {  	_ =	strace $0x8FFFFFFF  }
0x98: {  	s19 =	sld [smem:$0x3FDB];
	_ =	sdelay $0x1  }
0x99: {  	s4 =	simm.s32 $_scs_section_size  }
0x9a: {  	s5 =	simm.s32 $_size__tile_overlayer_lowered;
	s6 =	simm.s32 $_tile_overlayer_lowered  }
0x9b: {  	s22 =	simm.s32 $0x1BFF;
	s21 =	sshll.u32 s6, $0x1;
	s3 =	sadd.s32 s4, s19  }
0x9c: {  	s7 =	simm.s32 $0x0;
	s20 =	sshll.u32 s5, $0x1;
	s5 =	sadd.s32 s21, s3  }
0x9d: {  	[timem:s7], [sflag:s22] =	dma.local [hbm:s5], s20  }
0x9e: {  	_ =	swait.ge [sflag:s22], s20  }
0x9f: {  	s4 =	ssub.s32 $0x0, s20;
	[sflag:s22] =	ssyncset.done $0x0  }
0xa0: {  	[sflag:s22] =	ssyncadd.s32 s4;
	_ =	sdelay $0x1  }
0xa1: {  	s23 =	simm.s32 $0x1B8B  }
0xa2: {  	_ =	swait.ge [sflag:s23], $0x1  }
0xa3: {  	[sflag:s23] =	ssyncset.done $0x0  }
0xa4: {  	s25 =	simm.s32 $0x1B8E;
	s24 =	sld [smem:$0x3FFE];
	[sflag:s23] =	ssyncadd.s32 $0xFFFFFFFF  }
0xa5: {  	s26 =	simm.s32 $execute0_lowered;
	[smem:$0x3FD2] =	sst s25  }
0xa6: {  	s5 =	sshll.u32 s26, $0x1;
	_ =	strace $0x80000046;
	[dreg:$0x1] =	wrdreg $0xFFFFFFFF  }
0xa7: {  	s28 =	simm.s32 $_size_execute0_lowered;
	s3 =	sadd.s32 s3, s5;
	[dreg:$0x0] =	wrdreg $0x0  }
0xa8: {  	s5 =	sshll.u32 s28, $0x1;
	[dreg:$0x2] =	wrdreg s3  }
0xa9: {  	[dreg:$0x3] =	wrdreg s5  }
0xaa: {  	[dreg:$0x4] =	wrdreg $0xC0  }
0xab: {  	_ =	task [dreg:s7], $0x5FFFF  }
0xac: {  	[dreg:$0x1] =	wrdreg $0xFFFFFFFF  }
0xad: {  	[dreg:$0x0] =	wrdreg $0x60  }
0xae: {  	[dreg:$0x2] =	wrdreg s24  }
0xaf: {  	[dreg:$0x3] =	wrdreg s2  }
0xb0: {  	[dreg:$0x4] =	wrdreg $0x9  }
0xb1: {  	_ =	task.clear_ibuf [dreg:s7], $0x5FFFF;
	_ =	strace $0x90000046  }
0xb2: {  	s29 =	simm.s32 $0x9;
	_ =	strace $0x80000048  }
0xb3: {  	_ =	swait.ge [sflag:s29], $0x1  }
0xb4: {  	[sflag:s29] =	ssyncadd.s32 $0xFFFFFFFF  }
0xb5: {  	_ =	strace $0x90000048  }
0xb6: {  	_ =	sfence  }
0xb7: {  	s30 =	sld [smem:$0x0];
	_ =	sdelay $0x2  }
0xb8: {  	s31 =	sshll.u32 s1, $0xD;
	s1 =	sshrl.u32 s1, $0x2  }
0xb9: {  	s3 =	sand.u32 $0x4000, s31;
	s1 =	sadd.s32 s1, s30  }
0xba: {  	s0 =	sor.u32 s3, s0;
	s1 =	sshll.u32 s1, $0x11  }
0xbb: {  	s0 =	sor.u32 s1, s0  }
0xbc: {  	s0 =	sadd.s32 $0x8F2B, s0  }
0xbd: {  	[sflag:s0] =	ssyncadd.remote.s32 $0x1  }
0xbe: {  	_ =	sfence.sel $0xFFFF  }
0xbf: {  	[dreg:$0x0] =	wrdreg $0xFFFFFFFF;
	(pc) =	sbr.abs _section_cstart, $3  }
0xc0: {  	[dreg:$0x1] =	wrdreg $0xFFFFFFFF  }
0xc1: {  	_ =	task.clear_ibuf [dreg:s7], $0x2FFFF;
	_ =	strace $0x9FFFFFFF  }
0xc2: {  	(tm) =	ssettm $0x7FFFFFFF  }
0xc3: {  	_ =	shalt  }
tec
execute0_lowered:
.L_overlay_start_1:
0x0: {  	(tag) =	ssettag $0x1  }
0x1: {  	s0 =	rddreg [dreg:$0x0]  }
0x2: {  	s2 =	rddreg [dreg:$0x1];
	s1 =	srdreg.scid;
	s4 =	simm.s32 $0x0  }
0x3: {  	s3 =	stileid.u32;
	s23 =	simm.s32 $0x80;
	s10 =	simm.s32 $0x14400  }
0x4: {  	s16 =	simm.s32 $0x40;
	s24 =	simm.s32 $0x6400;
	[smem:$0x7FF] =	sst s4  }
0x5: {  	s17 =	simm.s32 $0xC80;
	_ =	strace $0x80000047;
	[dreg:$0x3] =	wrdreg s23  }
0x6: {  	s25 =	simm.s32 $0x8400;
	s26 =	simm.s32 $0xA400;
	[dreg:$0x4] =	wrdreg s24  }
0x7: {  	s28 =	simm.s32 $0xC400;
	s29 =	simm.s32 $0xE400;
	[dreg:$0x5] =	wrdreg s25  }
0x8: {  	s30 =	simm.s32 $0x10400;
	s31 =	simm.s32 $0x12400;
	[dreg:$0x6] =	wrdreg s26  }
0x9: {  	s1 =	sand.u32 $0x1, s1;
	s3 =	sshll.u32 s3, $0xA;
	[dreg:$0x7] =	wrdreg s28  }
0xa: {  	s5 =	sadd.s32 $0x19800, s0;
	s20 =	sshll.u32 s1, $0x9;
	[dreg:$0x8] =	wrdreg s29  }
0xb: {  	s1 =	ssub.s32 $0x2, s1;
	[dreg:$0x9] =	wrdreg s30;
	s23 =	simm.s32 $0x7  }
0xc: {  	[dreg:$0xa] =	wrdreg s31;
	s24 =	simm.s32 $0x8;
	s3 =	sor.u32 s20, s3  }
0xd: {  	s21 =	sshrl.u32 s1, $0x1;
	s6 =	sshrl.u32 s3, $0x3;
	s4 =	smul.u32 $0xC80, s3  }
0xe: {  	s1 =	ssub.s32 s1, s21;
	s3 =	simm.s32 $0x0;
	s0 =	sadd.s32 s6, s0  }
0xf: {  	s21 =	simm.s32 $0x14400;
	s22 =	smax.u32 s1, $0x1;
	s0 =	sadd.s32 $0x800, s0  }
0x10: {  	s7 =	sadd.s32 $0x64000, s4;
	s8 =	sadd.s32 $0xC8000, s4;
	[dreg:$0xc] =	wrdreg s22  }
0x11: {  	s9 =	sadd.s32 $0x12C000, s4;
	s22 =	simm.s32 $0x6;
	[dreg:$0xb] =	wrdreg s0  }
.LBB2_1:
0x12: {  	[dreg:$0xd] =	wrdreg s3  }
0x13: {  	s0 =	simm.s32 $0x0;
	s1 =	rddreg [dreg:$0xb]  }
0x14: {  	s20 =	simm.s32 $0x200;
	s6 =	simm.s32 $0x4000;
	s25 =	simm.s32 $0x11  }
0x15: {  	[tilespmem:s0], [sflag:$0x11] =	stream.strided.gather [hbm4b:s1+s20], $0x6400, s6, s20, $0x38;
	[tilespmem:$0x16400] =	vst v63  }
0x16: {  	_ =	swait.ge [sflag:s25], $0x6400  }
0x17: {  	p0 =	por $0x0, $0x0;
	[sflag:s25] =	ssyncset.done $0x0  }
0x18: {  	s0 =	simm.s32 @p0 $0x9;
	[sflag:s25] =	ssyncadd.s32 $0xFFFF9C00  }
0x19: {  	_ =	swait.ge @p0 [sflag:s0], $0x2000  }
0x1a: {  	s1 =	simm.s32 @p0 $0x0;
	s3 =	simm.s32 @p0 $0x80;
	[sflag:s0] =	ssyncset.done @p0 $0x0  }
0x1b: {  	s6 =	simm.s32 @p0 $0xA;
	[sflag:s0] =	ssyncadd.s32 @p0 $0xFFFFE000;
	s0 =	simm.s32 @p0 $0x6400  }
0x1c: {  	[tilespmem:s0], [sflag:$0x1] =	stream.indirect.gather @p0 [hbm4b:s5+s3], $0x40, s1, s3, $0xb8;
	[tilespmem:$0x16400] =	vst v63  }
0x1d: {  	_ =	swait.ge @p0 [sflag:s6], $0x2000  }
0x1e: {  	s0 =	simm.s32 @p0 $0x80;
	[sflag:s6] =	ssyncset.done @p0 $0x0  }
0x1f: {  	s1 =	simm.s32 @p0 $0x8400;
	[sflag:s6] =	ssyncadd.s32 @p0 $0xFFFFE000;
	s6 =	simm.s32 @p0 $0xB  }
0x20: {  	[tilespmem:s1], [sflag:$0x2] =	stream.indirect.gather @p0 [hbm4b:s5+s3], $0x40, s0, s3, $0xb8;
	[tilespmem:$0x16400] =	vst v63  }
0x21: {  	_ =	swait.ge @p0 [sflag:s6], $0x2000  }
0x22: {  	s0 =	simm.s32 @p0 $0x100;
	[sflag:s6] =	ssyncset.done @p0 $0x0  }
0x23: {  	s1 =	simm.s32 @p0 $0xA400;
	[sflag:s6] =	ssyncadd.s32 @p0 $0xFFFFE000;
	s6 =	simm.s32 @p0 $0xC  }
0x24: {  	[tilespmem:s1], [sflag:$0x3] =	stream.indirect.gather @p0 [hbm4b:s5+s3], $0x40, s0, s3, $0xb8;
	[tilespmem:$0x16400] =	vst v63  }
0x25: {  	_ =	swait.ge @p0 [sflag:s6], $0x2000  }
0x26: {  	s0 =	simm.s32 @p0 $0xC400;
	[sflag:s6] =	ssyncset.done @p0 $0x0  }
0x27: {  	s1 =	simm.s32 @p0 $0xD;
	[sflag:s6] =	ssyncadd.s32 @p0 $0xFFFFE000;
	s6 =	simm.s32 @p0 $0x180  }
0x28: {  	[tilespmem:s0], [sflag:$0x4] =	stream.indirect.gather @p0 [hbm4b:s5+s3], $0x40, s6, s3, $0xb8;
	[tilespmem:$0x16400] =	vst v63  }
0x29: {  	_ =	swait.ge @p0 [sflag:s1], $0x2000  }
0x2a: {  	s0 =	simm.s32 @p0 $0xE400;
	[sflag:s1] =	ssyncset.done @p0 $0x0  }
0x2b: {  	s6 =	simm.s32 @p0 $0xE;
	[sflag:s1] =	ssyncadd.s32 @p0 $0xFFFFE000;
	s1 =	simm.s32 @p0 $0x200  }
0x2c: {  	[tilespmem:s0], [sflag:$0x5] =	stream.indirect.gather @p0 [hbm4b:s5+s3], $0x40, s1, s3, $0xb8;
	[tilespmem:$0x16400] =	vst v63  }
0x2d: {  	_ =	swait.ge @p0 [sflag:s6], $0x2000  }
0x2e: {  	s0 =	simm.s32 @p0 $0x280;
	[sflag:s6] =	ssyncset.done @p0 $0x0  }
0x2f: {  	s1 =	simm.s32 @p0 $0x10400;
	[sflag:s6] =	ssyncadd.s32 @p0 $0xFFFFE000;
	s6 =	simm.s32 @p0 $0xF  }
0x30: {  	[tilespmem:s1], [sflag:$0x6] =	stream.indirect.gather @p0 [hbm4b:s5+s3], $0x40, s0, s3, $0xb8;
	[tilespmem:$0x16400] =	vst v63  }
0x31: {  	_ =	swait.ge @p0 [sflag:s6], $0x2000  }
0x32: {  	s0 =	simm.s32 @p0 $0x300;
	[sflag:s6] =	ssyncset.done @p0 $0x0  }
0x33: {  	s1 =	simm.s32 @p0 $0x12400;
	[sflag:s6] =	ssyncadd.s32 @p0 $0xFFFFE000;
	s6 =	simm.s32 @p0 $0x10  }
0x34: {  	[tilespmem:s1], [sflag:$0x7] =	stream.indirect.gather @p0 [hbm4b:s5+s3], $0x40, s0, s3, $0xb8;
	[tilespmem:$0x16400] =	vst v63  }
0x35: {  	_ =	swait.ge @p0 [sflag:s6], $0x2000  }
0x36: {  	s0 =	simm.s32 @!p0 $0x80;
	[sflag:s6] =	ssyncset.done @p0 $0x0  }
0x37: {  	s1 =	simm.s32 @!p0 $0x0;
	s3 =	simm.s32 @!p0 $0x6400;
	[sflag:s6] =	ssyncadd.s32 @p0 $0xFFFFE000  }
0x38: {  	[tilespmem:s3], [sflag:$0x1] =	stream.indirect.gather @!p0 [hbm4b:s5+s0], $0x40, s1, s0, $0xb8;
	[tilespmem:$0x16400] =	vst v63  }
0x39: {  	s1 =	simm.s32 @!p0 $0x8400  }
0x3a: {  	[tilespmem:s1], [sflag:$0x2] =	stream.indirect.gather @!p0 [hbm4b:s5+s0], $0x40, s0, s0, $0xb8;
	[tilespmem:$0x16400] =	vst v63  }
0x3b: {  	s3 =	simm.s32 @!p0 $0xA400;
	s1 =	simm.s32 @!p0 $0x100  }
0x3c: {  	[tilespmem:s3], [sflag:$0x3] =	stream.indirect.gather @!p0 [hbm4b:s5+s0], $0x40, s1, s0, $0xb8;
	[tilespmem:$0x16400] =	vst v63  }
0x3d: {  	s1 =	simm.s32 @!p0 $0x180;
	s3 =	simm.s32 @!p0 $0xC400  }
0x3e: {  	[tilespmem:s3], [sflag:$0x4] =	stream.indirect.gather @!p0 [hbm4b:s5+s0], $0x40, s1, s0, $0xb8;
	[tilespmem:$0x16400] =	vst v63  }
0x3f: {  	s1 =	simm.s32 @!p0 $0x200;
	s3 =	simm.s32 @!p0 $0xE400  }
0x40: {  	[tilespmem:s3], [sflag:$0x5] =	stream.indirect.gather @!p0 [hbm4b:s5+s0], $0x40, s1, s0, $0xb8;
	[tilespmem:$0x16400] =	vst v63  }
0x41: {  	s1 =	simm.s32 @!p0 $0x10400;
	s3 =	simm.s32 @!p0 $0x280  }
0x42: {  	[tilespmem:s1], [sflag:$0x6] =	stream.indirect.gather @!p0 [hbm4b:s5+s0], $0x40, s3, s0, $0xb8;
	[tilespmem:$0x16400] =	vst v63  }
0x43: {  	s1 =	simm.s32 @p0 $0x800  }
0x44: {  	s6 =	simm.s32 @!p0 $0x12400;
	s3 =	simm.s32 @!p0 $0x300;
	s1 =	simm.s32 @!p0 $0x800  }
0x45: {  	[tilespmem:s6], [sflag:$0x7] =	stream.indirect.gather @!p0 [hbm4b:s5+s0], $0x40, s3, s0, $0xb8;
	[tilespmem:$0x16400] =	vst v63  }
0x46: {  	s28 =	simm.s32 $0x1;
	s1 =	sshra.s32 s1, $0x2;
	s3 =	simm.s32 $0x0  }
0x47: {  	s26 =	rddreg [dreg:$0x3];
	s1 =	sadd.s32 $0x180, s1;
	s3 =	simm.s32 @!p0 $0x0  }
0x48: {  	[tilespmem:s10], [sflag:$0x8] =	stream.indirect.gather [hbm4b:s5+s26], $0x40, s1, s26, $0xb8;
	[tilespmem:$0x16400] =	vst v63  }
0x49: {  	s29 =	sor.u32 s4, s3;
	_ =	swait.ge [sflag:s28], $0x2000  }
0x4a: {  	s31 =	simm.s32 $0x2;
	s0 =	sshrl.u32 s29, $0x3;
	[sflag:s28] =	ssyncset.done $0x0  }
0x4b: {  	s30 =	rddreg [dreg:$0x4];
	s0 =	sadd.s32 s2, s0;
	[sflag:s28] =	ssyncadd.s32 $0xFFFFE000  }
0x4c: {  	[hbm4b:s0+s16] =	stream.strided.scatter [tilespmem:s30], [sflag:$0x9], $0x2000, s17, s16, $0x38;
	[tilespmem:$0x16400] =	vst v63  }
0x4d: {  	s1 =	sor.u32 s7, s3;
	_ =	swait.ge [sflag:s31], $0x2000  }
0x4e: {  	s11 =	simm.s32 $0x3;
	s0 =	sshrl.u32 s1, $0x3;
	[sflag:s31] =	ssyncset.done $0x0  }
0x4f: {  	s0 =	sadd.s32 s2, s0;
	s10 =	rddreg [dreg:$0x5];
	[sflag:s31] =	ssyncadd.s32 $0xFFFFE000  }
0x50: {  	[hbm4b:s0+s16] =	stream.strided.scatter [tilespmem:s10], [sflag:$0xA], $0x2000, s17, s16, $0x38;
	[tilespmem:$0x16400] =	vst v63  }
0x51: {  	s14 =	simm.s32 $0x4;
	s12 =	sor.u32 s8, s3;
	_ =	swait.ge [sflag:s11], $0x2000  }
0x52: {  	s19 =	simm.s32 $0x5;
	s0 =	sshrl.u32 s12, $0x3;
	[sflag:s11] =	ssyncset.done $0x0  }
0x53: {  	s0 =	sadd.s32 s2, s0;
	s13 =	rddreg [dreg:$0x6];
	[sflag:s11] =	ssyncadd.s32 $0xFFFFE000  }
0x54: {  	[hbm4b:s0+s16] =	stream.strided.scatter [tilespmem:s13], [sflag:$0xB], $0x2000, s17, s16, $0x38;
	[tilespmem:$0x16400] =	vst v63  }
0x55: {  	s15 =	sor.u32 s9, s3;
	s3 =	simm.s32 @p0 $0x40;
	_ =	swait.ge [sflag:s14], $0x2000  }
0x56: {  	s3 =	simm.s32 @!p0 $0x40;
	s0 =	sshrl.u32 s15, $0x3;
	[sflag:s14] =	ssyncset.done $0x0  }
0x57: {  	s0 =	sadd.s32 s2, s0;
	s18 =	rddreg [dreg:$0x7];
	[sflag:s14] =	ssyncadd.s32 $0xFFFFE000  }
0x58: {  	[hbm4b:s0+s16] =	stream.strided.scatter [tilespmem:s18], [sflag:$0xC], $0x2000, s17, s16, $0x38;
	[tilespmem:$0x16400] =	vst v63  }
0x59: {  	s20 =	sor.u32 s4, s3;
	_ =	swait.ge [sflag:s19], $0x2000  }
0x5a: {  	s0 =	sshrl.u32 s20, $0x3;
	[sflag:s19] =	ssyncset.done $0x0  }
0x5b: {  	s0 =	sadd.s32 s2, s0;
	s25 =	rddreg [dreg:$0x8];
	[sflag:s19] =	ssyncadd.s32 $0xFFFFE000  }
0x5c: {  	[hbm4b:s0+s16] =	stream.strided.scatter [tilespmem:s25], [sflag:$0xD], $0x2000, s17, s16, $0x38;
	[tilespmem:$0x16400] =	vst v63  }
0x5d: {  	s6 =	simm.s32 $0x2000;
	s26 =	sor.u32 s7, s3;
	_ =	swait.ge [sflag:s22], $0x2000  }
0x5e: {  	p0 =	por $0x1, $0x1;
	s0 =	sshrl.u32 s26, $0x3;
	[sflag:s22] =	ssyncset.done $0x0  }
0x5f: {  	s0 =	sadd.s32 s2, s0;
	s28 =	rddreg [dreg:$0x9];
	[sflag:s22] =	ssyncadd.s32 $0xFFFFE000  }
0x60: {  	[hbm4b:s0+s16] =	stream.strided.scatter [tilespmem:s28], [sflag:$0xE], $0x2000, s17, s16, $0x38;
	[tilespmem:$0x16400] =	vst v63  }
0x61: {  	s29 =	sor.u32 s8, s3;
	s3 =	sor.u32 s9, s3;
	_ =	swait.ge [sflag:s23], $0x2000  }
0x62: {  	s31 =	sshrl.u32 s3, $0x3;
	s0 =	sshrl.u32 s29, $0x3;
	[sflag:s23] =	ssyncset.done $0x0  }
0x63: {  	s0 =	sadd.s32 s2, s0;
	s30 =	rddreg [dreg:$0xa];
	[sflag:s23] =	ssyncadd.s32 $0xFFFFE000  }
0x64: {  	[hbm4b:s0+s16] =	stream.strided.scatter [tilespmem:s30], [sflag:$0xF], $0x2000, s17, s16, $0x38;
	[tilespmem:$0x16400] =	vst v63  }
0x65: {  	s12 =	simm.s32 $0x1000;
	s11 =	simm.s32 $0x80;
	s0 =	sadd.s32 s2, s31  }
.LBB2_2:
0x66: {  	_ =	swait.ge [sflag:s24], $0x2000  }
0x67: {  	s26 =	smov.u32 s11;
	[sflag:s24] =	ssyncset.done $0x0  }
0x68: {  	s3 =	simm.s32 @p0 $0x9;
	s26 =	simm.s32 @!p0 $0x0;
	[sflag:s24] =	ssyncadd.s32 $0xFFFFE000  }
0x69: {  	[hbm4b:s0+s16] =	stream.strided.scatter [tilespmem:s21], [sflag:$0x10], $0x2000, s17, s16, $0x38;
	[tilespmem:$0x16400] =	vst v63  }
0x6a: {  	s29 =	sshra.s32 @p0 s12, $0x2;
	s1 =	sor.u32 s4, s26;
	_ =	swait.ge @p0 [sflag:s3], $0x2000  }
0x6b: {  	s28 =	simm.s32 @p0 $0xA;
	s13 =	sshrl.u32 s1, $0x3;
	[sflag:s3] =	ssyncset.done @p0 $0x0  }
0x6c: {  	s1 =	simm.s32 @p0 $0x80;
	[sflag:s3] =	ssyncadd.s32 @p0 $0xFFFFE000;
	s3 =	simm.s32 @p0 $0x6400  }
0x6d: {  	[tilespmem:s3], [sflag:$0x1] =	stream.indirect.gather @p0 [hbm4b:s5+s1], $0x40, s29, s1, $0xb8;
	[tilespmem:$0x16400] =	vst v63  }
0x6e: {  	_ =	swait.ge @p0 [sflag:s28], $0x2000  }
0x6f: {  	s31 =	simm.s32 @p0 $0x8400;
	[sflag:s28] =	ssyncset.done @p0 $0x0  }
0x70: {  	s15 =	simm.s32 @p0 $0xB;
	s0 =	sadd.s32 @p0 $0x80, s29;
	[sflag:s28] =	ssyncadd.s32 @p0 $0xFFFFE000  }
0x71: {  	[tilespmem:s31], [sflag:$0x2] =	stream.indirect.gather @p0 [hbm4b:s5+s1], $0x40, s0, s1, $0xb8;
	[tilespmem:$0x16400] =	vst v63  }
0x72: {  	_ =	swait.ge @p0 [sflag:s15], $0x2000  }
0x73: {  	s30 =	sadd.s32 @p0 $0x100, s29;
	[sflag:s15] =	ssyncset.done @p0 $0x0  }
0x74: {  	s0 =	simm.s32 @p0 $0xA400;
	s31 =	simm.s32 @p0 $0xC;
	[sflag:s15] =	ssyncadd.s32 @p0 $0xFFFFE000  }
0x75: {  	[tilespmem:s0], [sflag:$0x3] =	stream.indirect.gather @p0 [hbm4b:s5+s1], $0x40, s30, s1, $0xb8;
	[tilespmem:$0x16400] =	vst v63  }
0x76: {  	s14 =	sadd.s32 @p0 $0x280, s29;
	s19 =	sor.u32 s8, s26;
	_ =	swait.ge @p0 [sflag:s31], $0x2000  }
0x77: {  	s3 =	sadd.s32 @p0 $0x300, s29;
	s0 =	simm.s32 @p0 $0xC400;
	[sflag:s31] =	ssyncset.done @p0 $0x0  }
0x78: {  	s30 =	simm.s32 @p0 $0xD;
	[sflag:s31] =	ssyncadd.s32 @p0 $0xFFFFE000;
	s31 =	sadd.s32 @p0 $0x180, s29  }
0x79: {  	[tilespmem:s0], [sflag:$0x4] =	stream.indirect.gather @p0 [hbm4b:s5+s1], $0x40, s31, s1, $0xb8;
	[tilespmem:$0x16400] =	vst v63  }
0x7a: {  	s28 =	sshrl.u32 s19, $0x3;
	s15 =	sadd.s32 @p0 $0x40, s11;
	_ =	swait.ge @p0 [sflag:s30], $0x2000  }
0x7b: {  	s19 =	simm.s32 @p0 $0xE;
	s15 =	simm.s32 @!p0 $0x40;
	[sflag:s30] =	ssyncset.done @p0 $0x0  }
0x7c: {  	s31 =	simm.s32 @p0 $0xE400;
	[sflag:s30] =	ssyncadd.s32 @p0 $0xFFFFE000;
	s30 =	sadd.s32 @p0 $0x200, s29  }
0x7d: {  	[tilespmem:s31], [sflag:$0x5] =	stream.indirect.gather @p0 [hbm4b:s5+s1], $0x40, s30, s1, $0xb8;
	[tilespmem:$0x16400] =	vst v63  }
0x7e: {  	s18 =	sor.u32 s4, s15;
	s20 =	sor.u32 s7, s15;
	_ =	swait.ge @p0 [sflag:s19], $0x2000  }
0x7f: {  	s0 =	sshrl.u32 s18, $0x3;
	s18 =	simm.s32 @p0 $0x10400;
	[sflag:s19] =	ssyncset.done @p0 $0x0  }
0x80: {  	s29 =	sshrl.u32 s20, $0x3;
	s20 =	simm.s32 @p0 $0xF;
	[sflag:s19] =	ssyncadd.s32 @p0 $0xFFFFE000  }
0x81: {  	[tilespmem:s18], [sflag:$0x6] =	stream.indirect.gather @p0 [hbm4b:s5+s1], $0x40, s14, s1, $0xb8;
	[tilespmem:$0x16400] =	vst v63  }
0x82: {  	s31 =	sor.u32 s8, s15;
	s15 =	sor.u32 s9, s15;
	_ =	swait.ge @p0 [sflag:s20], $0x2000  }
0x83: {  	s30 =	sshrl.u32 s15, $0x3;
	[sflag:s20] =	ssyncset.done @p0 $0x0  }
0x84: {  	s15 =	simm.s32 @p0 $0x10;
	s14 =	simm.s32 @p0 $0x12400;
	[sflag:s20] =	ssyncadd.s32 @p0 $0xFFFFE000  }
0x85: {  	[tilespmem:s14], [sflag:$0x7] =	stream.indirect.gather @p0 [hbm4b:s5+s1], $0x40, s3, s1, $0xb8;
	[tilespmem:$0x16400] =	vst v63  }
0x86: {  	_ =	swait.ge @p0 [sflag:s15], $0x2000  }
0x87: {  	s1 =	simm.s32 @!p0 $0x80;
	[sflag:s15] =	ssyncset.done @p0 $0x0  }
0x88: {  	s3 =	simm.s32 @!p0 $0x0;
	s14 =	simm.s32 @!p0 $0x6400;
	[sflag:s15] =	ssyncadd.s32 @p0 $0xFFFFE000  }
0x89: {  	[tilespmem:s14], [sflag:$0x1] =	stream.indirect.gather @!p0 [hbm4b:s5+s1], $0x40, s3, s1, $0xb8;
	[tilespmem:$0x16400] =	vst v63  }
0x8a: {  	s3 =	simm.s32 @!p0 $0x8400  }
0x8b: {  	[tilespmem:s3], [sflag:$0x2] =	stream.indirect.gather @!p0 [hbm4b:s5+s1], $0x40, s1, s1, $0xb8;
	[tilespmem:$0x16400] =	vst v63  }
0x8c: {  	s14 =	simm.s32 @!p0 $0xA400;
	s3 =	simm.s32 @!p0 $0x100  }
0x8d: {  	[tilespmem:s14], [sflag:$0x3] =	stream.indirect.gather @!p0 [hbm4b:s5+s1], $0x40, s3, s1, $0xb8;
	[tilespmem:$0x16400] =	vst v63  }
0x8e: {  	s3 =	simm.s32 @!p0 $0x180;
	s14 =	simm.s32 @!p0 $0xC400  }
0x8f: {  	[tilespmem:s14], [sflag:$0x4] =	stream.indirect.gather @!p0 [hbm4b:s5+s1], $0x40, s3, s1, $0xb8;
	[tilespmem:$0x16400] =	vst v63  }
0x90: {  	s3 =	sadd.s32 @p0 $0x800, s12;
	s12 =	simm.s32 @!p0 $0x200;
	s14 =	simm.s32 @!p0 $0xE400  }
0x91: {  	[tilespmem:s14], [sflag:$0x5] =	stream.indirect.gather @!p0 [hbm4b:s5+s1], $0x40, s12, s1, $0xb8;
	[tilespmem:$0x16400] =	vst v63  }
0x92: {  	s15 =	simm.s32 @!p0 $0x10400;
	s3 =	simm.s32 @!p0 $0x800;
	s12 =	simm.s32 @!p0 $0x280  }
0x93: {  	[tilespmem:s15], [sflag:$0x6] =	stream.indirect.gather @!p0 [hbm4b:s5+s1], $0x40, s12, s1, $0xb8;
	[tilespmem:$0x16400] =	vst v63  }
0x94: {  	s3 =	sshra.s32 s3, $0x2;
	s12 =	simm.s32 @!p0 $0x300;
	s15 =	simm.s32 @!p0 $0x12400  }
0x95: {  	[tilespmem:s15], [sflag:$0x7] =	stream.indirect.gather @!p0 [hbm4b:s5+s1], $0x40, s12, s1, $0xb8;
	[tilespmem:$0x16400] =	vst v63  }
0x96: {  	s20 =	rddreg [dreg:$0x3];
	s14 =	simm.s32 $0x1;
	s3 =	sadd.s32 $0x180, s3  }
0x97: {  	[tilespmem:s21], [sflag:$0x8] =	stream.indirect.gather [hbm4b:s5+s20], $0x40, s3, s20, $0xb8;
	[tilespmem:$0x16400] =	vst v63  }
0x98: {  	_ =	swait.ge [sflag:s14], $0x2000  }
0x99: {  	s10 =	sor.u32 s7, s26;
	s19 =	simm.s32 $0x2;
	[sflag:s14] =	ssyncset.done $0x0  }
0x9a: {  	s18 =	sadd.s32 s2, s13;
	s15 =	rddreg [dreg:$0x4];
	[sflag:s14] =	ssyncadd.s32 $0xFFFFE000  }
0x9b: {  	[hbm4b:s18+s16] =	stream.strided.scatter [tilespmem:s15], [sflag:$0x9], $0x2000, s17, s16, $0x38;
	[tilespmem:$0x16400] =	vst v63  }
0x9c: {  	s25 =	smov.u32 s6;
	s10 =	sshrl.u32 s10, $0x3;
	_ =	swait.ge [sflag:s19], $0x2000  }
0x9d: {  	s12 =	smov.u32 s25;
	s25 =	sadd.s32 s2, s10;
	[sflag:s19] =	ssyncset.done $0x0  }
0x9e: {  	s10 =	simm.s32 $0x3;
	s20 =	rddreg [dreg:$0x5];
	[sflag:s19] =	ssyncadd.s32 $0xFFFFE000  }
0x9f: {  	[hbm4b:s25+s16] =	stream.strided.scatter [tilespmem:s20], [sflag:$0xA], $0x2000, s17, s16, $0x38;
	[tilespmem:$0x16400] =	vst v63  }
0xa0: {  	_ =	swait.ge [sflag:s10], $0x2000  }
0xa1: {  	s26 =	sor.u32 s9, s26;
	s14 =	sadd.s32 s2, s28;
	[sflag:s10] =	ssyncset.done $0x0  }
0xa2: {  	s15 =	simm.s32 $0x4;
	s13 =	rddreg [dreg:$0x6];
	[sflag:s10] =	ssyncadd.s32 $0xFFFFE000  }
0xa3: {  	[hbm4b:s14+s16] =	stream.strided.scatter [tilespmem:s13], [sflag:$0xB], $0x2000, s17, s16, $0x38;
	[tilespmem:$0x16400] =	vst v63  }
0xa4: {  	s26 =	sshrl.u32 s26, $0x3;
	_ =	swait.ge [sflag:s15], $0x2000  }
0xa5: {  	s19 =	sadd.s32 s2, s26;
	[sflag:s15] =	ssyncset.done $0x0  }
0xa6: {  	s20 =	simm.s32 $0x5;
	s18 =	rddreg [dreg:$0x7];
	[sflag:s15] =	ssyncadd.s32 $0xFFFFE000  }
0xa7: {  	[hbm4b:s19+s16] =	stream.strided.scatter [tilespmem:s18], [sflag:$0xC], $0x2000, s17, s16, $0x38;
	[tilespmem:$0x16400] =	vst v63  }
0xa8: {  	_ =	swait.ge [sflag:s20], $0x2000  }
0xa9: {  	[sflag:s20] =	ssyncset.done $0x0  }
0xaa: {  	s0 =	sadd.s32 s2, s0;
	s25 =	rddreg [dreg:$0x8];
	[sflag:s20] =	ssyncadd.s32 $0xFFFFE000  }
0xab: {  	[hbm4b:s0+s16] =	stream.strided.scatter [tilespmem:s25], [sflag:$0xD], $0x2000, s17, s16, $0x38;
	[tilespmem:$0x16400] =	vst v63  }
0xac: {  	s6 =	sadd.s32 $0x1000, s6;
	_ =	swait.ge [sflag:s22], $0x2000  }
0xad: {  	p1 =	sne.s32 s6, $0x19000;
	[sflag:s22] =	ssyncset.done $0x0  }
0xae: {  	s28 =	sadd.s32 s2, s29;
	s26 =	rddreg [dreg:$0x9];
	[sflag:s22] =	ssyncadd.s32 $0xFFFFE000  }
0xaf: {  	[hbm4b:s28+s16] =	stream.strided.scatter [tilespmem:s26], [sflag:$0xE], $0x2000, s17, s16, $0x38;
	[tilespmem:$0x16400] =	vst v63  }
.Ltmp0:
0xb0: {  	_ = 	snop;
	(pc) =	sbr.rel @p1 .LBB2_2-.Ltmp0, $4  }
0xb1: {  	s11 =	sadd.s32 $0x80, s11;
	s31 =	sshrl.u32 s31, $0x3;
	_ =	swait.ge [sflag:s23], $0x2000  }
0xb2: {  	s31 =	sadd.s32 s2, s31;
	p0 =	sne.s32 s12, $0x0;
	[sflag:s23] =	ssyncset.done $0x0  }
0xb3: {  	s0 =	sadd.s32 s2, s30;
	s29 =	rddreg [dreg:$0xa];
	[sflag:s23] =	ssyncadd.s32 $0xFFFFE000  }
0xb4: {  	[hbm4b:s31+s16] =	stream.strided.scatter [tilespmem:s29], [sflag:$0xF], $0x2000, s17, s16, $0x38;
	[tilespmem:$0x16400] =	vst v63  }
0xb5: {  	_ =	swait.ge [sflag:s24], $0x2000  }
0xb6: {  	[sflag:s24] =	ssyncset.done $0x0  }
0xb7: {  	s1 =	simm.s32 @p0 $0x9;
	s13 =	simm.s32 $0x14400;
	[sflag:s24] =	ssyncadd.s32 $0xFFFFE000  }
0xb8: {  	[hbm4b:s0+s16] =	stream.strided.scatter [tilespmem:s13], [sflag:$0x10], $0x2000, s17, s16, $0x38;
	[tilespmem:$0x16400] =	vst v63  }
0xb9: {  	_ =	swait.ge @p0 [sflag:s1], $0x2000  }
0xba: {  	s3 =	simm.s32 @p0 $0x80;
	s6 =	simm.s32 @p0 $0xA;
	[sflag:s1] =	ssyncset.done @p0 $0x0  }
0xbb: {  	s0 =	sshra.s32 @p0 s12, $0x2;
	[sflag:s1] =	ssyncadd.s32 @p0 $0xFFFFE000;
	s1 =	simm.s32 @p0 $0x6400  }
0xbc: {  	[tilespmem:s1], [sflag:$0x1] =	stream.indirect.gather @p0 [hbm4b:s5+s3], $0x40, s0, s3, $0xb8;
	[tilespmem:$0x16400] =	vst v63  }
0xbd: {  	_ =	swait.ge @p0 [sflag:s6], $0x2000  }
0xbe: {  	[sflag:s6] =	ssyncset.done @p0 $0x0  }
0xbf: {  	s1 =	sadd.s32 @p0 $0x80, s0;
	[sflag:s6] =	ssyncadd.s32 @p0 $0xFFFFE000;
	s6 =	simm.s32 @p0 $0x8400  }
0xc0: {  	[tilespmem:s6], [sflag:$0x2] =	stream.indirect.gather @p0 [hbm4b:s5+s3], $0x40, s1, s3, $0xb8;
	[tilespmem:$0x16400] =	vst v63  }
0xc1: {  	s1 =	simm.s32 @p0 $0xB  }
0xc2: {  	_ =	swait.ge @p0 [sflag:s1], $0x2000  }
0xc3: {  	[sflag:s1] =	ssyncset.done @p0 $0x0  }
0xc4: {  	s6 =	sadd.s32 @p0 $0x100, s0;
	[sflag:s1] =	ssyncadd.s32 @p0 $0xFFFFE000;
	s1 =	simm.s32 @p0 $0xA400  }
0xc5: {  	[tilespmem:s1], [sflag:$0x3] =	stream.indirect.gather @p0 [hbm4b:s5+s3], $0x40, s6, s3, $0xb8;
	[tilespmem:$0x16400] =	vst v63  }
0xc6: {  	s1 =	simm.s32 @p0 $0xC  }
0xc7: {  	_ =	swait.ge @p0 [sflag:s1], $0x2000  }
0xc8: {  	[sflag:s1] =	ssyncset.done @p0 $0x0  }
0xc9: {  	s6 =	simm.s32 @p0 $0xC400;
	[sflag:s1] =	ssyncadd.s32 @p0 $0xFFFFE000;
	s1 =	sadd.s32 @p0 $0x180, s0  }
0xca: {  	[tilespmem:s6], [sflag:$0x4] =	stream.indirect.gather @p0 [hbm4b:s5+s3], $0x40, s1, s3, $0xb8;
	[tilespmem:$0x16400] =	vst v63  }
0xcb: {  	s1 =	simm.s32 @p0 $0xD  }
0xcc: {  	_ =	swait.ge @p0 [sflag:s1], $0x2000  }
0xcd: {  	[sflag:s1] =	ssyncset.done @p0 $0x0  }
0xce: {  	s6 =	simm.s32 @p0 $0xE400;
	[sflag:s1] =	ssyncadd.s32 @p0 $0xFFFFE000;
	s1 =	sadd.s32 @p0 $0x200, s0  }
0xcf: {  	[tilespmem:s6], [sflag:$0x5] =	stream.indirect.gather @p0 [hbm4b:s5+s3], $0x40, s1, s3, $0xb8;
	[tilespmem:$0x16400] =	vst v63  }
0xd0: {  	s1 =	simm.s32 @p0 $0xE  }
0xd1: {  	_ =	swait.ge @p0 [sflag:s1], $0x2000  }
0xd2: {  	[sflag:s1] =	ssyncset.done @p0 $0x0  }
0xd3: {  	s6 =	sadd.s32 @p0 $0x280, s0;
	[sflag:s1] =	ssyncadd.s32 @p0 $0xFFFFE000;
	s1 =	simm.s32 @p0 $0x10400  }
0xd4: {  	[tilespmem:s1], [sflag:$0x6] =	stream.indirect.gather @p0 [hbm4b:s5+s3], $0x40, s6, s3, $0xb8;
	[tilespmem:$0x16400] =	vst v63  }
0xd5: {  	s1 =	simm.s32 @p0 $0xF  }
0xd6: {  	_ =	swait.ge @p0 [sflag:s1], $0x2000  }
0xd7: {  	[sflag:s1] =	ssyncset.done @p0 $0x0  }
0xd8: {  	s0 =	sadd.s32 @p0 $0x300, s0;
	[sflag:s1] =	ssyncadd.s32 @p0 $0xFFFFE000;
	s1 =	simm.s32 @p0 $0x12400  }
0xd9: {  	[tilespmem:s1], [sflag:$0x7] =	stream.indirect.gather @p0 [hbm4b:s5+s3], $0x40, s0, s3, $0xb8;
	[tilespmem:$0x16400] =	vst v63  }
0xda: {  	s0 =	simm.s32 @p0 $0x10  }
0xdb: {  	_ =	swait.ge @p0 [sflag:s0], $0x2000  }
0xdc: {  	s1 =	simm.s32 @!p0 $0x80;
	[sflag:s0] =	ssyncset.done @p0 $0x0  }
0xdd: {  	s3 =	simm.s32 @!p0 $0x0;
	[sflag:s0] =	ssyncadd.s32 @p0 $0xFFFFE000;
	s0 =	simm.s32 @!p0 $0x6400  }
0xde: {  	[tilespmem:s0], [sflag:$0x1] =	stream.indirect.gather @!p0 [hbm4b:s5+s1], $0x40, s3, s1, $0xb8;
	[tilespmem:$0x16400] =	vst v63  }
0xdf: {  	s0 =	simm.s32 @!p0 $0x8400  }
0xe0: {  	[tilespmem:s0], [sflag:$0x2] =	stream.indirect.gather @!p0 [hbm4b:s5+s1], $0x40, s1, s1, $0xb8;
	[tilespmem:$0x16400] =	vst v63  }
0xe1: {  	s3 =	simm.s32 @!p0 $0xA400;
	s0 =	simm.s32 @!p0 $0x100  }
0xe2: {  	[tilespmem:s3], [sflag:$0x3] =	stream.indirect.gather @!p0 [hbm4b:s5+s1], $0x40, s0, s1, $0xb8;
	[tilespmem:$0x16400] =	vst v63  }
0xe3: {  	s0 =	simm.s32 @!p0 $0x180;
	s3 =	simm.s32 @!p0 $0xC400  }
0xe4: {  	[tilespmem:s3], [sflag:$0x4] =	stream.indirect.gather @!p0 [hbm4b:s5+s1], $0x40, s0, s1, $0xb8;
	[tilespmem:$0x16400] =	vst v63  }
0xe5: {  	s0 =	simm.s32 @!p0 $0x200;
	s3 =	simm.s32 @!p0 $0xE400  }
0xe6: {  	[tilespmem:s3], [sflag:$0x5] =	stream.indirect.gather @!p0 [hbm4b:s5+s1], $0x40, s0, s1, $0xb8;
	[tilespmem:$0x16400] =	vst v63  }
0xe7: {  	s0 =	simm.s32 @!p0 $0x10400;
	s3 =	simm.s32 @!p0 $0x280  }
0xe8: {  	[tilespmem:s0], [sflag:$0x6] =	stream.indirect.gather @!p0 [hbm4b:s5+s1], $0x40, s3, s1, $0xb8;
	[tilespmem:$0x16400] =	vst v63  }
0xe9: {  	s0 =	simm.s32 @!p0 $0x300;
	s3 =	simm.s32 @!p0 $0x12400  }
0xea: {  	[tilespmem:s3], [sflag:$0x7] =	stream.indirect.gather @!p0 [hbm4b:s5+s1], $0x40, s0, s1, $0xb8;
	[tilespmem:$0x16400] =	vst v63  }
0xeb: {  	s0 =	sadd.s32 @p0 $0x800, s12  }
0xec: {  	s0 =	simm.s32 @!p0 $0x800  }
0xed: {  	s31 =	simm.s32 $0x1;
	s3 =	smov.u32 s11;
	s0 =	sshra.s32 s0, $0x2  }
0xee: {  	s30 =	rddreg [dreg:$0x3];
	s3 =	simm.s32 @!p0 $0x0;
	s0 =	sadd.s32 $0x180, s0  }
0xef: {  	[tilespmem:s13], [sflag:$0x8] =	stream.indirect.gather [hbm4b:s5+s30], $0x40, s0, s30, $0xb8;
	[tilespmem:$0x16400] =	vst v63  }
0xf0: {  	s1 =	sor.u32 s4, s3;
	_ =	swait.ge [sflag:s31], $0x2000  }
0xf1: {  	s12 =	simm.s32 $0x2;
	s0 =	sshrl.u32 s1, $0x3;
	[sflag:s31] =	ssyncset.done $0x0  }
0xf2: {  	s0 =	sadd.s32 s2, s0;
	s10 =	rddreg [dreg:$0x4];
	[sflag:s31] =	ssyncadd.s32 $0xFFFFE000  }
0xf3: {  	[hbm4b:s0+s16] =	stream.strided.scatter [tilespmem:s10], [sflag:$0x9], $0x2000, s17, s16, $0x38;
	[tilespmem:$0x16400] =	vst v63  }
0xf4: {  	s14 =	sor.u32 s7, s3;
	_ =	swait.ge [sflag:s12], $0x2000  }
0xf5: {  	s18 =	simm.s32 $0x3;
	s0 =	sshrl.u32 s14, $0x3;
	[sflag:s12] =	ssyncset.done $0x0  }
0xf6: {  	s0 =	sadd.s32 s2, s0;
	s15 =	rddreg [dreg:$0x5];
	[sflag:s12] =	ssyncadd.s32 $0xFFFFE000  }
0xf7: {  	[hbm4b:s0+s16] =	stream.strided.scatter [tilespmem:s15], [sflag:$0xA], $0x2000, s17, s16, $0x38;
	[tilespmem:$0x16400] =	vst v63  }
0xf8: {  	s25 =	simm.s32 $0x4;
	s19 =	sor.u32 s8, s3;
	_ =	swait.ge [sflag:s18], $0x2000  }
0xf9: {  	s29 =	simm.s32 $0x5;
	s0 =	sshrl.u32 s19, $0x3;
	[sflag:s18] =	ssyncset.done $0x0  }
0xfa: {  	s0 =	sadd.s32 s2, s0;
	s20 =	rddreg [dreg:$0x6];
	[sflag:s18] =	ssyncadd.s32 $0xFFFFE000  }
0xfb: {  	[hbm4b:s0+s16] =	stream.strided.scatter [tilespmem:s20], [sflag:$0xB], $0x2000, s17, s16, $0x38;
	[tilespmem:$0x16400] =	vst v63  }
0xfc: {  	s26 =	sor.u32 s9, s3;
	s3 =	sadd.s32 @p0 $0x40, s11;
	_ =	swait.ge [sflag:s25], $0x2000  }
0xfd: {  	s3 =	simm.s32 @!p0 $0x40;
	s0 =	sshrl.u32 s26, $0x3;
	[sflag:s25] =	ssyncset.done $0x0  }
0xfe: {  	s0 =	sadd.s32 s2, s0;
	s28 =	rddreg [dreg:$0x7];
	[sflag:s25] =	ssyncadd.s32 $0xFFFFE000  }
0xff: {  	[hbm4b:s0+s16] =	stream.strided.scatter [tilespmem:s28], [sflag:$0xC], $0x2000, s17, s16, $0x38;
	[tilespmem:$0x16400] =	vst v63  }
0x100: {  	s30 =	sor.u32 s4, s3;
	_ =	swait.ge [sflag:s29], $0x2000  }
0x101: {  	s0 =	sshrl.u32 s30, $0x3;
	[sflag:s29] =	ssyncset.done $0x0  }
0x102: {  	s0 =	sadd.s32 s2, s0;
	s31 =	rddreg [dreg:$0x8];
	[sflag:s29] =	ssyncadd.s32 $0xFFFFE000  }
0x103: {  	[hbm4b:s0+s16] =	stream.strided.scatter [tilespmem:s31], [sflag:$0xD], $0x2000, s17, s16, $0x38;
	[tilespmem:$0x16400] =	vst v63  }
0x104: {  	s6 =	sor.u32 s7, s3;
	_ =	swait.ge [sflag:s22], $0x2000  }
0x105: {  	s0 =	sshrl.u32 s6, $0x3;
	[sflag:s22] =	ssyncset.done $0x0  }
0x106: {  	s0 =	sadd.s32 s2, s0;
	s10 =	rddreg [dreg:$0x9];
	[sflag:s22] =	ssyncadd.s32 $0xFFFFE000  }
0x107: {  	[hbm4b:s0+s16] =	stream.strided.scatter [tilespmem:s10], [sflag:$0xE], $0x2000, s17, s16, $0x38;
	[tilespmem:$0x16400] =	vst v63  }
0x108: {  	s11 =	sor.u32 s8, s3;
	_ =	swait.ge [sflag:s23], $0x2000  }
0x109: {  	s0 =	sshrl.u32 s11, $0x3;
	[sflag:s23] =	ssyncset.done $0x0  }
0x10a: {  	s0 =	sadd.s32 s2, s0;
	s12 =	rddreg [dreg:$0xa];
	[sflag:s23] =	ssyncadd.s32 $0xFFFFE000  }
0x10b: {  	[hbm4b:s0+s16] =	stream.strided.scatter [tilespmem:s12], [sflag:$0xF], $0x2000, s17, s16, $0x38;
	[tilespmem:$0x16400] =	vst v63  }
0x10c: {  	s14 =	sor.u32 s9, s3;
	_ =	swait.ge [sflag:s24], $0x2000  }
0x10d: {  	s0 =	sshrl.u32 s14, $0x3;
	[sflag:s24] =	ssyncset.done $0x0  }
0x10e: {  	s15 =	simm.s32 $0x9;
	s0 =	sadd.s32 s2, s0;
	[sflag:s24] =	ssyncadd.s32 $0xFFFFE000  }
0x10f: {  	[hbm4b:s0+s16] =	stream.strided.scatter [tilespmem:s13], [sflag:$0x10], $0x2000, s17, s16, $0x38;
	[tilespmem:$0x16400] =	vst v63  }
0x110: {  	_ =	swait.ge [sflag:s15], $0x2000  }
0x111: {  	[sflag:s15] =	ssyncset.done $0x0  }
0x112: {  	s18 =	simm.s32 $0xA;
	[sflag:s15] =	ssyncadd.s32 $0xFFFFE000  }
0x113: {  	_ =	swait.ge [sflag:s18], $0x2000  }
0x114: {  	[sflag:s18] =	ssyncset.done $0x0  }
0x115: {  	s19 =	simm.s32 $0xB;
	[sflag:s18] =	ssyncadd.s32 $0xFFFFE000  }
0x116: {  	_ =	swait.ge [sflag:s19], $0x2000  }
0x117: {  	[sflag:s19] =	ssyncset.done $0x0  }
0x118: {  	s20 =	simm.s32 $0xC;
	[sflag:s19] =	ssyncadd.s32 $0xFFFFE000  }
0x119: {  	_ =	swait.ge [sflag:s20], $0x2000  }
0x11a: {  	[sflag:s20] =	ssyncset.done $0x0  }
0x11b: {  	s25 =	simm.s32 $0xD;
	[sflag:s20] =	ssyncadd.s32 $0xFFFFE000  }
0x11c: {  	_ =	swait.ge [sflag:s25], $0x2000  }
0x11d: {  	[sflag:s25] =	ssyncset.done $0x0  }
0x11e: {  	s26 =	simm.s32 $0xE;
	[sflag:s25] =	ssyncadd.s32 $0xFFFFE000  }
0x11f: {  	_ =	swait.ge [sflag:s26], $0x2000  }
0x120: {  	[sflag:s26] =	ssyncset.done $0x0  }
0x121: {  	s28 =	simm.s32 $0xF;
	[sflag:s26] =	ssyncadd.s32 $0xFFFFE000  }
0x122: {  	_ =	swait.ge [sflag:s28], $0x2000  }
0x123: {  	[sflag:s28] =	ssyncset.done $0x0  }
0x124: {  	s29 =	simm.s32 $0x10;
	[sflag:s28] =	ssyncadd.s32 $0xFFFFE000  }
0x125: {  	_ =	swait.ge [sflag:s29], $0x2000  }
0x126: {  	s30 =	rddreg [dreg:$0xd]  }
0x127: {  	s31 =	rddreg [dreg:$0xc];
	s3 =	sadd.s32 $0x1, s30  }
0x128: {  	p0 =	sne.s32 s3, s31  }
.Ltmp1:
0x129: {  	_ = 	snop;
	(pc) =	sbr.rel @p0 .LBB2_1-.Ltmp1, $3  }
0x12a: {  	_ =	sdelay $0x1  }
0x12b: {  	[sflag:s29] =	ssyncset.done $0x0  }
0x12c: {  	s10 =	simm.s32 $0x14400;
	[sflag:s29] =	ssyncadd.s32 $0xFFFFE000  }
0x12d: {  	_ =	sfence.sel $0x180000  }
0x12e: {  	[bflag:$0x0] =	sbarrier.arrive $0xFFFF  }
0x12f: {  	_ =	strace $0x90000047  }
0x130: {  	s0 =	stileid.u32;
	[bflag:$0x2] =	sbarrier.arrive $0xFFFF  }
0x131: {  	p0 =	sne.s32 s0, $0x0;
	s0 =	rddreg [dreg:$0x2]  }
0x132: {  	s0 =	sadd.s32 @!p0 $0x100000, s0  }
0x133: {  	[sflag:s0] =	ssyncadd.tile.s32 @!p0 $0x1;
	_ =	shalt  }
.Lfunc_end2:
_tile_overlayer_lowered:
.L_overlay_start_2:
0x134: {  	(tag) =	ssettag $0x2  }
0x135: {  	s0 =	rddreg [dreg:$0x0];
	s2 =	stileid.u32  }
0x136: {  	s1 =	rddreg [dreg:$0x1];
	p0 =	sne.s32 s2, $0x0  }
0x137: {  	s3 =	rddreg [dreg:$0x2];
	[bflag:$0x3] =	sbarrier.arrive $0xFFFF;
	s2 =	simm.s32 @!p0 $0x1C11  }
0x138: {  	[timem:s3], [sflag:s2] =	dma.local @!p0 [hbm:s0], s1  }
0x139: {  	s0 =	simm.s32 @!p0 $0x11  }
0x13a: {  	_ =	swait.ge @!p0 [sflag:s0], s1  }
0x13b: {  	s1 =	ssub.s32 @!p0 $0x0, s1;
	[sflag:s0] =	ssyncset.done @!p0 $0x0  }
0x13c: {  	[sflag:s0] =	ssyncadd.s32 @!p0 s1  }
0x13d: {  	[bflag:$0x3] =	sbarrier.arrive $0xFFFF  }
0x13e: {  	_ =	shalt  }

// kernel: sparse-core-data-format-call.cloned.1.call-start
scs
called_computation_lowered:
.L_overlay_start_0:
0x0: {  	s2 =	sld [smem:$0x3FD9]  }
0x1: {  	s3 =	sld [smem:$0x3FFE];
	_ =	sdelay $0x1  }
0x2: {  	s1 =	srdreg.scid  }
0x3: {  	s0 =	sand.u32 $0x1, s1  }
0x4: {  	s18 =	sshll.u32 s0, $0xA;
	s2 =	sadd.s32 s3, s2  }
0x5: {  	s2 =	sadd.s32 s2, s18  }
0x6: {  	[smem:$0x3FC6] =	sst s2  }
0x7: {  	_ = 	snop  }
0x8: {  	s2 =	sld [smem:$0x3FD0];
	(tm) =	ssettm $0x1  }
0x9: {  	s19 =	sld [smem:$0x3FFB];
	_ =	sdelay $0x3  }
0xa: {  	_ =	strace s19  }
0xb: {  	s3 =	sld [smem:$0x3FFC];
	_ =	sdelay $0x3  }
0xc: {  	_ =	strace s3  }
0xd: {  	s3 =	sld [smem:$0x3FFD];
	_ =	sdelay $0x3  }
0xe: {  	_ =	strace s3  }
0xf: {  	_ =	strace $0x8FFFFFFF  }
0x10: {  	s20 =	sld [smem:$0x3FDB];
	_ =	sdelay $0x1  }
0x11: {  	s4 =	simm.s32 $_scs_section_size  }
0x12: {  	s5 =	simm.s32 $_size__tile_overlayer_lowered;
	s6 =	simm.s32 $_tile_overlayer_lowered  }
0x13: {  	s23 =	simm.s32 $0x1BFF;
	s22 =	sshll.u32 s6, $0x1;
	s3 =	sadd.s32 s4, s20  }
0x14: {  	s7 =	simm.s32 $0x0;
	s21 =	sshll.u32 s5, $0x1;
	s5 =	sadd.s32 s22, s3  }
0x15: {  	[timem:s7], [sflag:s23] =	dma.local [hbm:s5], s21  }
0x16: {  	_ =	swait.ge [sflag:s23], s21  }
0x17: {  	s4 =	ssub.s32 $0x0, s21;
	[sflag:s23] =	ssyncset.done $0x0  }
0x18: {  	[sflag:s23] =	ssyncadd.s32 s4;
	_ =	sdelay $0x1  }
0x19: {  	s24 =	simm.s32 $0x1B8B  }
0x1a: {  	_ =	swait.ge [sflag:s24], $0x1  }
0x1b: {  	[sflag:s24] =	ssyncset.done $0x0  }
0x1c: {  	s26 =	simm.s32 $0x1B8E;
	s25 =	sld [smem:$0x3FFE];
	[sflag:s24] =	ssyncadd.s32 $0xFFFFFFFF  }
0x1d: {  	s27 =	simm.s32 $execute0_lowered;
	[smem:$0x3FD2] =	sst s26  }
0x1e: {  	s5 =	sshll.u32 s27, $0x1;
	_ =	strace $0x80000049;
	[dreg:$0x1] =	wrdreg $0xFFFFFFFF  }
0x1f: {  	s28 =	simm.s32 $_size_execute0_lowered;
	s3 =	sadd.s32 s3, s5;
	[dreg:$0x0] =	wrdreg $0x0  }
0x20: {  	s5 =	sshll.u32 s28, $0x1;
	[dreg:$0x2] =	wrdreg s3  }
0x21: {  	[dreg:$0x3] =	wrdreg s5  }
0x22: {  	[dreg:$0x4] =	wrdreg $0xC0  }
0x23: {  	_ =	task [dreg:s7], $0x5FFFF  }
0x24: {  	[dreg:$0x1] =	wrdreg $0xFFFFFFFF  }
0x25: {  	[dreg:$0x0] =	wrdreg $0x60  }
0x26: {  	[dreg:$0x2] =	wrdreg s25  }
0x27: {  	[dreg:$0x3] =	wrdreg s2  }
0x28: {  	[dreg:$0x4] =	wrdreg $0x9  }
0x29: {  	_ =	task.clear_ibuf [dreg:s7], $0x5FFFF;
	_ =	strace $0x90000049  }
0x2a: {  	s29 =	simm.s32 $0x9;
	_ =	strace $0x8000004B  }
0x2b: {  	_ =	swait.ge [sflag:s29], $0x1  }
0x2c: {  	[sflag:s29] =	ssyncadd.s32 $0xFFFFFFFF  }
0x2d: {  	_ =	strace $0x9000004B  }
0x2e: {  	_ =	sfence  }
0x2f: {  	s30 =	sld [smem:$0x0];
	_ =	sdelay $0x2  }
0x30: {  	s31 =	sshll.u32 s1, $0xD;
	s1 =	sshrl.u32 s1, $0x2  }
0x31: {  	s3 =	sand.u32 $0x4000, s31;
	s1 =	sadd.s32 s1, s30  }
0x32: {  	s0 =	sor.u32 s3, s0;
	s1 =	sshll.u32 s1, $0x11  }
0x33: {  	s0 =	sor.u32 s1, s0  }
0x34: {  	s0 =	sadd.s32 $0x8F2B, s0  }
0x35: {  	[sflag:s0] =	ssyncadd.remote.s32 $0x1  }
0x36: {  	_ =	sfence.sel $0xFFFF  }
0x37: {  	[dreg:$0x0] =	wrdreg $0xFFFFFFFF;
	(pc) =	sbr.abs _section_cstart, $3  }
0x38: {  	[dreg:$0x1] =	wrdreg $0xFFFFFFFF  }
0x39: {  	_ =	task.clear_ibuf [dreg:s7], $0x2FFFF;
	_ =	strace $0x9FFFFFFF  }
0x3a: {  	(tm) =	ssettm $0x7FFFFFFF  }
0x3b: {  	_ =	shalt  }
tec
execute0_lowered:
.L_overlay_start_1:
0x0: {  	(tag) =	ssettag $0x1  }
0x1: {  	s0 =	srdreg.scid  }
0x2: {  	s1 =	sshll.u32 s0, $0x4  }
0x3: {  	s0 =	stileid.u32;
	s1 =	sand.u32 $0x10, s1  }
0x4: {  	s1 =	sor.u32 s0, s1  }
0x5: {  	s6 =	rddreg [dreg:$0x0];
	s4 =	simm.s32 $0x1;
	s2 =	sshll.u32 s1, $0x7  }
0x6: {  	s7 =	simm.s32 $0x2;
	s12 =	simm.s32 $0x0;
	s1 =	ssub.s32 $0x4000, s2  }
0x7: {  	s8 =	simm.s32 $0x20000;
	s13 =	simm.s32 $0x0;
	s3 =	sand.u32 $0xF80, s1  }
0x8: {  	s9 =	simm.s32 $0x0;
	s5 =	sshrl.u32 s1, $0xC;
	p0 =	sne.s32 s3, $0x0  }
.Ltmp0:
0x9: {  	s1 =	rddreg [dreg:$0x2];
	s4 =	simm.s32 @!p0 $0x0;
	(pc) =	sbr.rel .LBB1_1-.Ltmp0, $4  }
0xa: {  	s11 =	simm.s32 $0x0;
	s3 =	rddreg [dreg:$0x1];
	s5 =	sadd.s32 s4, s5  }
0xb: {  	_ =	strace $0x8000004A;
	s4 =	simm.s32 $0x1;
	s5 =	smul.u32 $0x32, s5  }
0xc: {  	s6 =	sadd.s32 $0x800, s6;
	s10 =	smov.u32 s2;
	[sflag:s4] =	ssyncpa.u1 $0x0  }
0xd: {  	p0 =	por $0x0, $0x0;
	[sflag:s7] =	ssyncpa.u1 $0x0;
	s7 =	sor.u32 $0x1, s5  }
.LBB1_4:
0xe: {  	s16 =	sshll.u32 s13, $0x3;
	s17 =	sand.u32 $0x78, s13  }
0xf: {  	s30 =	sand.u32 $0x1F800, s13;
	s12 =	sshll.u32 s12, $0x11;
	s16 =	sand.u32 $0x3C00, s16  }
0x10: {  	[tilespmem:s15+$0x810 ss:$0x81] =	vst.msk $0xffff, v2;
	s31 =	sand.u32 $0x7, s13;
	s16 =	sor.u32 s17, s16;
	s17 =	sadd.s32 s3, s30  }
0x11: {  	[tilespmem:s15+$0x1020 ss:$0x81] =	vst.msk $0xffff, v0;
	s13 =	sshll.u32 s31, $0x12;
	s12 =	sadd.s32 s12, s17;
	s16 =	sshrl.u32 s16, $0x3  }
0x12: {  	[tilespmem:s15+$0x0 ss:$0x81] =	vst.msk $0xffff, v1;
	s13 =	sor.u32 $0x400, s13;
	s12 =	sadd.s32 s16, s12  }
0x13: {  	[hbm4b:s12+s13] =	stream.strided.scatter [tilespmem:s14], [sflag:$0x2], $0x2000, s8, s13, $0x20;
	[tilespmem:$0x8080] =	vst v63  }
.LBB1_5:
0x14: {  	s14 =	sadd.s32 $0x1, s9  }
0x15: {  	s12 =	sadd.s32 $0x1000, s10;
	s16 =	smov.u32 s10;
	p2 =	sgt.s32 s14, $0x31  }
0x16: {  	s16 =	smov.u32 @p2 s12  }
0x17: {  	s14 =	simm.s32 @p2 $0x0;
	p2 =	sgt.s32 s16, $0x3FFF  }
0x18: {  	s16 =	smov.u32 @p2 s2;
	p2 =	sne.s32 s11, s7  }
.Ltmp1:
0x19: {  	p1 =	slt.u32 s11, $0x2;
	(pc) =	sbr.rel @!p2 .LBB1_6-.Ltmp1, $4  }
0x1a: {  	s15 =	simm.s32 @!p1 $0x2  }
0x1b: {  	s13 =	smov.u32 s10;
	p0 =	por !p0, !p0;
	_ =	swait.ge @!p1 [sflag:s15], $0x2000  }
0x1c: {  	s12 =	smov.u32 s9;
	[sflag:s15] =	ssyncset.done @!p1 $0x0;
	s9 =	smov.u32 s14  }
0x1d: {  	s11 =	sadd.s32 $0x1, s11;
	[sflag:s15] =	ssyncadd.s32 @!p1 $0xFFFFE000;
	s10 =	smov.u32 s16  }
.LBB1_1:
0x1e: {  	p1 =	sge.u32 s11, s5  }
0x1f: {  	s14 =	sand.u32 @!p1 $0x1FFFFFF, s9  }
0x20: {  	s15 =	smulhi.u32 @!p1 $0x4924925, s14;
	_ =	sdelay $0x1  }
0x21: {  	s15 =	smul.u32 @!p1 $0x38, s15  }
0x22: {  	s16 =	sxor.u32 @!p1 $0xFFFFFFFF, s11;
	s17 =	smul.u32 @!p1 $0x380, s10  }
0x23: {  	s31 =	sadd.s32 $0xFFFFFFFF, s11;
	s16 =	sshll.u32 @!p1 s16, $0xD;
	s14 =	ssub.s32 @!p1 s14, s15  }
0x24: {  	s15 =	sand.u32 @!p1 $0x2000, s16;
	s16 =	sadd.s32 @!p1 s6, s17;
	s14 =	sshll.u32 @!p1 s14, $0x4  }
0x25: {  	s17 =	simm.s32 @!p1 $0x1C00;
	s14 =	sadd.s32 @!p1 s14, s16;
	s16 =	simm.s32 @!p1 $0x40  }
0x26: {  	[tilespmem:s15], [sflag:$0x1] =	stream.strided.gather @!p1 [hbm4b:s14+s16], $0x2000, s17, s16, $0x38;
	[tilespmem:$0x8080] =	vst v63  }
0x27: {  	p1 =	sge.u32 s31, s5  }
.Ltmp2:
0x28: {  	_ = 	snop;
	(pc) =	sbr.rel @p1 .LBB1_5-.Ltmp2, $1  }
0x29: {  	_ =	sdelay $0x3  }
0x2a: {  	s14 =	simm.s32 $0x1  }
0x2b: {  	_ =	swait.ge [sflag:s4], $0x2000;
	s14 =	simm.s32 @!p0 $0x0  }
0x2c: {  	[sflag:s4] =	ssyncset.done $0x0;
	s15 =	sshll.u32 s14, $0xD  }
0x2d: {  	[sflag:s4] =	ssyncadd.s32 $0xFFFFE000;
	s18 =	sor.u32 $0x20, s15  }
0x2e: {  	s14 =	smul.u32 $0x8100, s14;
	v3 =	vld [tilespmem:s18+$0x10]  }
0x2f: {  	s30 =	sand.u32 $0x1, s11;
	v2 =	vld [tilespmem:s18+$0xFFFFFFF0]  }
0x30: {  	s15 =	smul.u32 $0x8100, s30;
	s14 =	sshrl.u32 s14, $0x2;
	v0 =	vld [tilespmem:s18+$0x0]  }
0x31: {  	v1 =	vld [tilespmem:s18+$0xFFFFFFE0];
	s16 =	sor.u32 $0x4000, s14  }
0x32: {  	s31 =	sshrl.u32 s15, $0x2;
	s15 =	sadd.s32 $0x0, s16  }
0x33: {  	s17 =	simm.s32 $0x4;
	s18 =	sadd.s32 $0x40, s18;
	s14 =	sor.u32 $0x4000, s31;
	[tilespmem:s15+$0x1830 ss:$0x81] =	vst.msk $0xffff, v3  }
.LBB1_3:
0x34: {  	v3 =	vld [tilespmem:s18+$0x10];
	p1 =	sne.s32 s17, $0x1FC;
	[tilespmem:s15+$0x810 ss:$0x81] =	vst.msk $0xffff, v2;
	s19 =	smov.u32 s17;
	s17 =	sadd.s32 $0x4, s17  }
.Ltmp3:
0x35: {  	v2 =	vld [tilespmem:s18+$0xFFFFFFF0];
	[tilespmem:s15+$0x1020 ss:$0x81] =	vst.msk $0xffff, v0;
	(pc) =	sbr.rel @p1 .LBB1_3-.Ltmp3, $4  }
0x36: {  	v0 =	vld [tilespmem:s18+$0x0];
	[tilespmem:s15+$0x0 ss:$0x81] =	vst.msk $0xffff, v1  }
0x37: {  	s15 =	sshra.s32 s19, $0x2;
	v1 =	vld [tilespmem:s18+$0xFFFFFFE0]  }
0x38: {  	s15 =	sadd.s32 s15, s16  }
0x39: {  	s18 =	sadd.s32 $0x40, s18;
	[tilespmem:s15+$0x1830 ss:$0x81] =	vst.msk $0xffff, v3  }
.Ltmp4:
0x3a: {  	_ = 	snop;
	(pc) =	sbr.rel .LBB1_4-.Ltmp4, $1  }
0x3b: {  	_ =	sdelay $0x3  }
.LBB1_6:
0x3c: {  	_ =	sfence.sel $0x180000  }
0x3d: {  	s2 =	simm.s32 $0x1;
	[bflag:$0x0] =	sbarrier.arrive $0xFFFF  }
0x3e: {  	s31 =	simm.s32 $0x2;
	[sflag:s2] =	ssyncpa.u1 $0x1  }
0x3f: {  	[sflag:s31] =	ssyncpa.u1 $0x1  }
0x40: {  	p0 =	sne.s32 s0, $0x0;
	_ =	strace $0x9000004A  }
0x41: {  	s0 =	sadd.s32 @!p0 $0x100000, s1;
	[bflag:$0x2] =	sbarrier.arrive $0xFFFF  }
0x42: {  	[sflag:s0] =	ssyncadd.tile.s32 @!p0 $0x1;
	_ =	shalt  }
.Lfunc_end1:
_tile_overlayer_lowered:
.L_overlay_start_2:
0x43: {  	(tag) =	ssettag $0x2  }
0x44: {  	s0 =	rddreg [dreg:$0x0];
	s2 =	stileid.u32  }
0x45: {  	s1 =	rddreg [dreg:$0x1];
	p0 =	sne.s32 s2, $0x0  }
0x46: {  	s3 =	rddreg [dreg:$0x2];
	[bflag:$0x3] =	sbarrier.arrive $0xFFFF;
	s2 =	simm.s32 @!p0 $0x1C01  }
0x47: {  	[timem:s3], [sflag:s2] =	dma.local @!p0 [hbm:s0], s1  }
0x48: {  	s0 =	simm.s32 @!p0 $0x1  }
0x49: {  	_ =	swait.ge @!p0 [sflag:s0], s1  }
0x4a: {  	s1 =	ssub.s32 @!p0 $0x0, s1;
	[sflag:s0] =	ssyncset.done @!p0 $0x0  }
0x4b: {  	[sflag:s0] =	ssyncadd.s32 @!p0 s1  }
0x4c: {  	[bflag:$0x3] =	sbarrier.arrive $0xFFFF  }
0x4d: {  	_ =	shalt  }

</sc_bundles>
